<compile_context>
chip_gen: v7x
topology: tpu7x:2x2x1
jax: 0.10.2.dev20260603
libtpu: 0.0.44.dev20260713+nightly
codegen_flags: <defaults>
</compile_context>

<pallas_src>
import functools

import jax
import jax.numpy as jnp
from jax import lax
from jax.experimental import pallas as pl
from jax.experimental.pallas import tpu as pltpu
from jax.experimental.pallas import tpu_sc as plsc

N = 128
N_GOS = 4096
N_TOTAL = N * N_GOS
E_GO = 16777216
NB_CLASSES = 1024

NC = 2
NS = 16
NW = NC * NS
EPW = E_GO // NW
CHUNK = 4096
NCHUNK = EPW // CHUNK
ROWS_PER_WORKER = EPW // 128
TPW = N_TOTAL // NS


def _edge_kernel(table_hbm, ei_hbm, et_hbm, w_hbm, out_hbm,
                 src0, dst0, et0, val0, src1, dst1, et1, val1,
                 src2, dst2, et2, val2,
                 w_v, table_sh, agg_sh,
                 semL0, semL1, semL2, semG, semS):
    cid = lax.axis_index("c")
    sid = lax.axis_index("s")
    wid = sid * NC + cid
    ebase = wid * EPW

    bufs = ((src0, dst0, et0, val0, semL0),
            (src1, dst1, et1, val1, semL1),
            (src2, dst2, et2, val2, semL2))

    pltpu.sync_copy(table_hbm.at[pl.ds(sid * TPW, TPW)],
                    table_sh.at[pl.ds(sid * TPW, TPW)])
    pltpu.sync_copy(w_hbm, w_v)

    def _z(i, carry):
        val0[pl.ds(i * 16, 16)] = jnp.zeros((16,), jnp.float32)
        return carry
    lax.fori_loop(0, CHUNK // 16, _z, 0)
    for j in range(TPW // CHUNK):
        pltpu.sync_copy(val0, agg_sh.at[pl.ds(sid * TPW + j * CHUNK, CHUNK)])

    plsc.subcore_barrier()

    def _clamp(k):
        if isinstance(k, int):
            return min(k, NCHUNK - 1)
        return jnp.minimum(k, NCHUNK - 1)

    def _lin(k, b, start):
        src_v, dst_v, et_v, _, semL = b
        base = ebase + _clamp(k) * CHUNK
        for c in (
            pltpu.make_async_copy(ei_hbm.at[0, pl.ds(base, CHUNK)], src_v, semL),
            pltpu.make_async_copy(ei_hbm.at[1, pl.ds(base, CHUNK)], dst_v, semL),
            pltpu.make_async_copy(et_hbm.at[pl.ds(base, CHUNK)], et_v, semL),
        ):
            c.start() if start else c.wait()

    def _iter(k, cur, nxt, nn, first):
        src_v, dst_v, et_v, val_v, _ = cur
        pltpu.make_async_copy(table_sh.at[src_v], val_v, semG).wait()
        @plsc.parallel_loop(0, CHUNK, 16, unroll=4)
        def _mul(i):
            sl = pl.ds(i, 16)
            w16 = plsc.load_gather(w_v, [et_v[sl]])
            val_v[sl] = val_v[sl] * w16
        if not first:
            pltpu.make_async_copy(nn[3], agg_sh.at[nn[1]], semS).wait()
        pltpu.async_copy(val_v, agg_sh.at[dst_v], semS, add=True)
        _lin(k + 1, nxt, False)
        pltpu.make_async_copy(table_sh.at[nxt[0]], nxt[3], semG).start()
        _lin(k + 2, nn, True)

    _lin(0, bufs[0], True)
    _lin(0, bufs[0], False)
    pltpu.make_async_copy(table_sh.at[bufs[0][0]], bufs[0][3], semG).start()
    _lin(1, bufs[1], True)

    _iter(0, bufs[0], bufs[1], bufs[2], True)

    def _outer(k3, carry):
        for b in range(3):
            k = 1 + k3 * 3 + b
            _iter(k, bufs[(1 + b) % 3], bufs[(2 + b) % 3], bufs[b], False)
        return carry
    lax.fori_loop(0, (NCHUNK - 2) // 3, _outer, 0)

    _iter(NCHUNK - 1, bufs[(NCHUNK - 1) % 3], bufs[NCHUNK % 3],
          bufs[(NCHUNK + 1) % 3], False)

    last = bufs[(NCHUNK - 1) % 3]
    tailg = bufs[NCHUNK % 3]
    taill = bufs[(NCHUNK + 1) % 3]
    pltpu.make_async_copy(last[3], agg_sh.at[last[1]], semS).wait()
    pltpu.make_async_copy(table_sh.at[tailg[0]], tailg[3], semG).wait()
    _lin(NCHUNK - 1, taill, False)

    plsc.subcore_barrier()
    pltpu.sync_copy(agg_sh.at[pl.ds(sid * TPW, TPW)], out_hbm.at[cid, sid])


@functools.cache
def _rgcn_edge_pass_fn():
  return functools.partial(
    pl.kernel,
    out_type=jax.ShapeDtypeStruct((NC, NS, TPW), jnp.float32),
    mesh=plsc.VectorSubcoreMesh(core_axis_name="c", subcore_axis_name="s",
                                num_cores=NC),
    compiler_params=pltpu.CompilerParams(needs_layout_passes=False),
    scratch_types=[
        pltpu.VMEM((CHUNK,), jnp.int32),
        pltpu.VMEM((CHUNK,), jnp.int32),
        pltpu.VMEM((CHUNK,), jnp.int32),
        pltpu.VMEM((CHUNK,), jnp.float32),
        pltpu.VMEM((CHUNK,), jnp.int32),
        pltpu.VMEM((CHUNK,), jnp.int32),
        pltpu.VMEM((CHUNK,), jnp.int32),
        pltpu.VMEM((CHUNK,), jnp.float32),
        pltpu.VMEM((CHUNK,), jnp.int32),
        pltpu.VMEM((CHUNK,), jnp.int32),
        pltpu.VMEM((CHUNK,), jnp.int32),
        pltpu.VMEM((CHUNK,), jnp.float32),
        pltpu.VMEM((128,), jnp.float32),
        pltpu.VMEM_SHARED((N_TOTAL,), jnp.float32),
        pltpu.VMEM_SHARED((N_TOTAL,), jnp.float32),
        pltpu.SemaphoreType.DMA,
        pltpu.SemaphoreType.DMA,
        pltpu.SemaphoreType.DMA,
        pltpu.SemaphoreType.DMA,
        pltpu.SemaphoreType.DMA,
    ],
  )(_edge_kernel)


def _dense_kernel(xt_ref, aggp_ref, bsr_ref, bsc_ref, bdr_ref, sw_ref, rb_ref,
                  fc0w_ref, fc0b_ref, g1w_ref, g1b_ref, fc1w_ref, fc1b_ref,
                  out_ref):
    f32 = jnp.float32
    sw = sw_ref[0, 0]
    rb = rb_ref[0, 0]
    h2t = aggp_ref[0] + aggp_ref[1] + xt_ref[...] * sw + rb
    h2 = jnp.transpose(h2t)

    z = jnp.maximum(
        jnp.dot(h2, fc0w_ref[...], preferred_element_type=f32) + fc0b_ref[...],
        0.0)

    node_row = lax.broadcasted_iota(jnp.int32, (N, 4096), 0)
    m_src_t = (node_row == bsr_ref[...]).astype(f32)
    m_dst_t = (node_row == bdr_ref[...]).astype(f32)
    node_col = lax.broadcasted_iota(jnp.int32, (4096, N), 1)
    m_src_e = (bsc_ref[...] == node_col).astype(f32)
    out_deg = jnp.sum(m_src_t, axis=1, keepdims=True)
    in_deg = jnp.sum(m_dst_t, axis=1, keepdims=True)
    norm_s = lax.rsqrt(jnp.maximum(out_deg, 1.0))
    norm_d = lax.rsqrt(jnp.maximum(in_deg, 1.0))
    s_mat = jnp.dot(m_dst_t, m_src_e, preferred_element_type=f32)
    feat = z * norm_s
    agg2 = jnp.dot(s_mat, feat, preferred_element_type=f32) * norm_d

    hg = jnp.dot(agg2, g1w_ref[...], preferred_element_type=f32) + g1b_ref[...]
    logits = jnp.dot(hg, fc1w_ref[...], preferred_element_type=f32) + fc1b_ref[...]
    out_ref[...] = jax.nn.sigmoid(logits)


def kernel(x, go_edge_index, go_etypes, block_edge_index, rgcn_w, rgcn_self_w,
           rgcn_b, fc0_w, fc0_b, gcn1_w, gcn1_b, fc1_w, fc1_b):
    xt = jnp.transpose(x)
    table = xt.reshape(N_TOTAL)
    ei = go_edge_index
    et = go_etypes
    w_vec = jnp.pad(rgcn_w[:, 0, 0], (0, 128 - rgcn_w.shape[0]))

    agg_parts = _rgcn_edge_pass_fn()(table, ei, et, w_vec)
    aggp = agg_parts.reshape(NC, N_GOS, N)

    bs_row = block_edge_index[0:1, :]
    bs_col = block_edge_index[0].reshape(4096, 1)
    bd_row = block_edge_index[1:2, :]
    sw = rgcn_self_w.reshape(1, 1)
    rb = rgcn_b.reshape(1, 1)

    smem = pl.BlockSpec(memory_space=pltpu.SMEM)

    out = pl.pallas_call(
        _dense_kernel,
        out_shape=jax.ShapeDtypeStruct((N, NB_CLASSES), jnp.float32),
        in_specs=[
            pl.BlockSpec(memory_space=pltpu.VMEM),
            pl.BlockSpec(memory_space=pltpu.VMEM),
            pl.BlockSpec(memory_space=pltpu.VMEM),
            pl.BlockSpec(memory_space=pltpu.VMEM),
            pl.BlockSpec(memory_space=pltpu.VMEM),
            smem,
            smem,
            pl.BlockSpec(memory_space=pltpu.VMEM),
            pl.BlockSpec(memory_space=pltpu.VMEM),
            pl.BlockSpec(memory_space=pltpu.VMEM),
            pl.BlockSpec(memory_space=pltpu.VMEM),
            pl.BlockSpec(memory_space=pltpu.VMEM),
            pl.BlockSpec(memory_space=pltpu.VMEM),
        ],
        out_specs=pl.BlockSpec(memory_space=pltpu.VMEM),
    )(xt, aggp, bs_row, bs_col, bd_row, sw, rb,
      fc0_w, fc0_b.reshape(1, -1), gcn1_w, gcn1_b.reshape(1, -1),
      fc1_w, fc1_b.reshape(1, -1))
    return out

# --- scband reference (transcript-rebuilt; emitter-appended) ---
"""Pipeline reference for scband-net-37469294690489 (READ-ONLY COPY).

The authoritative reference and input builder live on the scoring server;
editing this copy changes nothing except your own understanding.
"""

import jax, jax.numpy as jnp
import numpy as np

N = 128
N_GOS = 4096
N_TOTAL = N * N_GOS
E_GO = 16777216
E_BLK = 4096
N_RELS = 11
HIDDEN = 1024
NB_CLASSES = 1024


def setup_inputs(seed: int = 0):
    key = jax.random.key(seed)
    ks = jax.random.split(key, 10)
    x = jax.random.normal(ks[0], (N, N_GOS), dtype=jnp.float32)
    go_edge_index = jax.random.randint(ks[1], (2, E_GO), 0, N_TOTAL, dtype=jnp.int32)
    go_etypes = jax.random.randint(ks[2], (E_GO,), 0, N_RELS, dtype=jnp.int32)
    block_edge_index = jax.random.randint(ks[3], (2, E_BLK), 0, N, dtype=jnp.int32)
    # RelGraphConv(1, 1, 11) params (regularizer=None -> per-relation weight, self_loop=True, bias=True)
    rgcn_w = jax.random.normal(ks[4], (N_RELS, 1, 1), dtype=jnp.float32) * 0.1
    rgcn_self_w = jax.random.normal(ks[5], (1, 1), dtype=jnp.float32) * 0.1
    rgcn_b = jnp.zeros((1,), dtype=jnp.float32)
    # fc0: Linear(input_length=N_GOS, HIDDEN)
    fc0_w = jax.random.normal(ks[6], (N_GOS, HIDDEN), dtype=jnp.float32) * 0.02
    fc0_b = jnp.zeros((HIDDEN,), dtype=jnp.float32)
    # gcn1: GraphConv(HIDDEN, HIDDEN), norm='both', bias=True
    gcn1_w = jax.random.normal(ks[7], (HIDDEN, HIDDEN), dtype=jnp.float32) * 0.02
    gcn1_b = jnp.zeros((HIDDEN,), dtype=jnp.float32)
    # fc1: Linear(HIDDEN, NB_CLASSES)
    fc1_w = jax.random.normal(ks[8], (HIDDEN, NB_CLASSES), dtype=jnp.float32) * 0.02
    fc1_b = jnp.zeros((NB_CLASSES,), dtype=jnp.float32)
    return {
        "x": x,
        "go_edge_index": go_edge_index,
        "go_etypes": go_etypes,
        "block_edge_index": block_edge_index,
        "rgcn_w": rgcn_w,
        "rgcn_self_w": rgcn_self_w,
        "rgcn_b": rgcn_b,
        "fc0_w": fc0_w,
        "fc0_b": fc0_b,
        "gcn1_w": gcn1_w,
        "gcn1_b": gcn1_b,
        "fc1_w": fc1_w,
        "fc1_b": fc1_b,
    }


def reference(x, go_edge_index, go_etypes, block_edge_index, rgcn_w, rgcn_self_w,
              rgcn_b, fc0_w, fc0_b, gcn1_w, gcn1_b, fc1_w, fc1_b):
    n, n_gos = x.shape
    n_total = n * n_gos
    # x: [n, n_gos] -> transpose -> reshape [n*n_gos, 1]
    h = jnp.transpose(x).reshape(n_total, 1)
    # RelGraphConv: msg_e = W_{etype(e)} h_src ; agg = sum over incoming edges; + self loop + bias
    src = go_edge_index[0]
    dst = go_edge_index[1]
    w_e = rgcn_w[go_etypes, 0, 0]  # [E] scalar per-relation weight (in=out=1)
    msg = h[src, 0] * w_e
    agg = jax.ops.segment_sum(msg, dst, num_segments=n_total)
    h = agg[:, None] + h @ rgcn_self_w + rgcn_b
    # view(-1, n) then transpose -> [n, n_gos]
    h = jnp.transpose(h.reshape(n_gos, n))
    # fc0 + relu (dropout in eval mode = identity)
    h = jax.nn.relu(h @ fc0_w + fc0_b)
    # GraphConv norm='both': D_out^{-1/2} on src, sum-aggregate, D_in^{-1/2} on dst, then W, b
    bs = block_edge_index[0]
    bd = block_edge_index[1]
    ones = jnp.ones((bs.shape[0],), dtype=jnp.float32)
    out_deg = jax.ops.segment_sum(ones, bs, num_segments=n)
    in_deg = jax.ops.segment_sum(ones, bd, num_segments=n)
    norm_src = jax.lax.rsqrt(jnp.clip(out_deg, 1.0, None))
    norm_dst = jax.lax.rsqrt(jnp.clip(in_deg, 1.0, None))
    feat = h * norm_src[:, None]
    agg2 = jax.ops.segment_sum(feat[bs], bd, num_segments=n)
    agg2 = agg2 * norm_dst[:, None]
    h = agg2 @ gcn1_w + gcn1_b
    # fc1 + sigmoid
    out = jax.nn.sigmoid(h @ fc1_w + fc1_b)
    return out

if __name__ == "__main__":
    import jax
    _d = setup_inputs()
    print(jax.jit(kernel)(*tuple(_d.values())))

</pallas_src>

<mosaic_0001>
#map = affine_map<(d0, d1) -> (0)>
#map1 = affine_map<(d0, d1) -> (0, 0)>
#map2 = affine_map<(d0, d1) -> (0, 0, 0)>
module attributes {stable_mosaic.version = 14 : i64} {
  func.func @_edge_kernel(%arg0: i32, %arg1: i32, %arg2: memref<524288xf32, #tpu.memory_space<hbm>>, %arg3: memref<2x16777216xi32, #tpu.memory_space<hbm>>, %arg4: memref<16777216xi32, #tpu.memory_space<hbm>>, %arg5: memref<128xf32, #tpu.memory_space<hbm>>, %arg6: memref<2x16x32768xf32, #tpu.memory_space<hbm>>, %arg7: memref<4096xi32, #tpu.memory_space<vmem>>, %arg8: memref<4096xi32, #tpu.memory_space<vmem>>, %arg9: memref<4096xi32, #tpu.memory_space<vmem>>, %arg10: memref<4096xf32, #tpu.memory_space<vmem>>, %arg11: memref<4096xi32, #tpu.memory_space<vmem>>, %arg12: memref<4096xi32, #tpu.memory_space<vmem>>, %arg13: memref<4096xi32, #tpu.memory_space<vmem>>, %arg14: memref<4096xf32, #tpu.memory_space<vmem>>, %arg15: memref<4096xi32, #tpu.memory_space<vmem>>, %arg16: memref<4096xi32, #tpu.memory_space<vmem>>, %arg17: memref<4096xi32, #tpu.memory_space<vmem>>, %arg18: memref<4096xf32, #tpu.memory_space<vmem>>, %arg19: memref<128xf32, #tpu.memory_space<vmem>>, %arg20: memref<524288xf32, #tpu.memory_space<vmem_shared>>, %arg21: memref<524288xf32, #tpu.memory_space<vmem_shared>>, %arg22: memref<!tpu.dma_semaphore, #tpu.memory_space<semaphore_mem>>, %arg23: memref<!tpu.dma_semaphore, #tpu.memory_space<semaphore_mem>>, %arg24: memref<!tpu.dma_semaphore, #tpu.memory_space<semaphore_mem>>, %arg25: memref<!tpu.dma_semaphore, #tpu.memory_space<semaphore_mem>>, %arg26: memref<!tpu.dma_semaphore, #tpu.memory_space<semaphore_mem>>) attributes {dimension_semantics = [#tpu.dimension_semantics<core_parallel>, #tpu.dimension_semantics<subcore_parallel>], iteration_bounds = array<i64: 2, 16>, scalar_prefetch = 0 : i64, scratch_operands = 20 : i64, tpu.core_type = #tpu.core_type<sc_vector_subcore>, window_params = [{transform_indices = #map}, {transform_indices = #map1}, {transform_indices = #map}, {transform_indices = #map}, {transform_indices = #map2}]} {
    %mul3A = arith.constant 2 : i32
    %mul3A_0 = arith.muli %arg1, %mul3A : i32
    %add3A = arith.addi %mul3A_0, %arg0 : i32
    %mul3A_1 = arith.constant 524288 : i32
    %mul3A_2 = arith.muli %add3A, %mul3A_1 : i32
    %mul3A_3 = arith.constant 32768 : i32
    %mul3A_4 = arith.muli %arg1, %mul3A_3 : i32
    %mul3A_5 = arith.constant 32768 : i32
    %mul3A_6 = arith.muli %arg1, %mul3A_5 : i32
    "tpu.region"() ({
      %run_scoped3A = tpu.sem_alloc : memref<!tpu.dma_semaphore, #tpu.memory_space<semaphore_mem>>
      %dma_start3A_188 = tpu.memref_slice %arg20[%mul3A_6] : memref<524288xf32, #tpu.memory_space<vmem_shared>> -> memref<32768xf32, #tpu.memory_space<vmem_shared>>
      %dma_start3A_189 = tpu.memref_slice %arg2[%mul3A_4] : memref<524288xf32, #tpu.memory_space<hbm>> -> memref<32768xf32, #tpu.memory_space<hbm>>
      tpu.enqueue_dma source(%dma_start3A_189 : memref<32768xf32, #tpu.memory_space<hbm>>) target(%dma_start3A_188 : memref<32768xf32, #tpu.memory_space<vmem_shared>>) target_semaphore(%run_scoped3A : memref<!tpu.dma_semaphore, #tpu.memory_space<semaphore_mem>>)
      %dma_wait3A_190 = tpu.memref_slice %arg20[%mul3A_6] : memref<524288xf32, #tpu.memory_space<vmem_shared>> -> memref<32768xf32, #tpu.memory_space<vmem_shared>>
      %dma_wait3A_191 = tpu.memref_slice %arg2[%mul3A_4] : memref<524288xf32, #tpu.memory_space<hbm>> -> memref<32768xf32, #tpu.memory_space<hbm>>
      tpu.wait_dma2 semaphore(%run_scoped3A : memref<!tpu.dma_semaphore, #tpu.memory_space<semaphore_mem>>) src(%dma_wait3A_191 : memref<32768xf32, #tpu.memory_space<hbm>>) dst(%dma_wait3A_190 : memref<32768xf32, #tpu.memory_space<vmem_shared>>)
      tpu.yield
    }) : () -> ()
    "tpu.region"() ({
      %run_scoped3A = tpu.sem_alloc : memref<!tpu.dma_semaphore, #tpu.memory_space<semaphore_mem>>
      tpu.enqueue_dma source(%arg5 : memref<128xf32, #tpu.memory_space<hbm>>) target(%arg19 : memref<128xf32, #tpu.memory_space<vmem>>) target_semaphore(%run_scoped3A : memref<!tpu.dma_semaphore, #tpu.memory_space<semaphore_mem>>)
      tpu.wait_dma2 semaphore(%run_scoped3A : memref<!tpu.dma_semaphore, #tpu.memory_space<semaphore_mem>>) src(%arg5 : memref<128xf32, #tpu.memory_space<hbm>>) dst(%arg19 : memref<128xf32, #tpu.memory_space<vmem>>)
      tpu.yield
    }) : () -> ()
    %scan3A = arith.constant 0 : i32
    %scan3A_7 = arith.constant 0 : i32
    %scan3A_8 = arith.constant 256 : i32
    %scan3A_9 = arith.addi %scan3A_7, %scan3A_8 : i32
    %scan3A_10 = arith.constant 1 : i32
    scf.for %scan3A_188 = %scan3A_7 to %scan3A_9 step %scan3A_10  : i32 {
      %broadcast_in_dim3A = arith.constant 0.000000e+00 : f32
      %broadcast_in_dim3A_189 = vector.broadcast %broadcast_in_dim3A : f32 to vector<16xf32>
      %mul3A_190 = arith.constant 16 : i32
      %mul3A_191 = arith.muli %scan3A_188, %mul3A_190 : i32
      %swap3A = arith.index_cast %mul3A_191 : i32 to index
      %swap3A_192 = tpu.vector_load %arg10[%swap3A] {strides = array<i32>} : memref<4096xf32, #tpu.memory_space<vmem>>, vector<16xf32>,
      tpu.vector_store %arg10[%swap3A], %broadcast_in_dim3A_189 {strides = array<i32>} : memref<4096xf32, #tpu.memory_space<vmem>>, vector<16xf32>,
    }
    %scan3A_11 = arith.constant 256 : i32
    %mul3A_12 = arith.constant 32768 : i32
    %mul3A_13 = arith.muli %arg1, %mul3A_12 : i32
    %add3A_14 = arith.constant 0 : i32
    %add3A_15 = arith.addi %mul3A_13, %add3A_14 : i32
    "tpu.region"() ({
      %run_scoped3A = tpu.sem_alloc : memref<!tpu.dma_semaphore, #tpu.memory_space<semaphore_mem>>
      %dma_start3A_188 = tpu.memref_slice %arg21[%add3A_15] : memref<524288xf32, #tpu.memory_space<vmem_shared>> -> memref<4096xf32, #tpu.memory_space<vmem_shared>>
      %dma_start3A_189 = tpu.memref_slice %arg21[%add3A_15] : memref<524288xf32, #tpu.memory_space<vmem_shared>> -> memref<4096xf32, #tpu.memory_space<vmem_shared>>
      tpu.enqueue_dma source(%arg10 : memref<4096xf32, #tpu.memory_space<vmem>>) target(%dma_start3A_189 : memref<4096xf32, #tpu.memory_space<vmem_shared>>) target_semaphore(%run_scoped3A : memref<!tpu.dma_semaphore, #tpu.memory_space<semaphore_mem>>)
      %dma_wait3A_190 = tpu.memref_slice %arg21[%add3A_15] : memref<524288xf32, #tpu.memory_space<vmem_shared>> -> memref<4096xf32, #tpu.memory_space<vmem_shared>>
      %dma_wait3A_191 = tpu.memref_slice %arg21[%add3A_15] : memref<524288xf32, #tpu.memory_space<vmem_shared>> -> memref<4096xf32, #tpu.memory_space<vmem_shared>>
      tpu.wait_dma2 semaphore(%run_scoped3A : memref<!tpu.dma_semaphore, #tpu.memory_space<semaphore_mem>>) src(%arg10 : memref<4096xf32, #tpu.memory_space<vmem>>) dst(%dma_wait3A_191 : memref<4096xf32, #tpu.memory_space<vmem_shared>>)
      tpu.yield
    }) : () -> ()
    %mul3A_16 = arith.constant 32768 : i32
    %mul3A_17 = arith.muli %arg1, %mul3A_16 : i32
    %add3A_18 = arith.constant 4096 : i32
    %add3A_19 = arith.addi %mul3A_17, %add3A_18 : i32
    "tpu.region"() ({
      %run_scoped3A = tpu.sem_alloc : memref<!tpu.dma_semaphore, #tpu.memory_space<semaphore_mem>>
      %dma_start3A_188 = tpu.memref_slice %arg21[%add3A_19] : memref<524288xf32, #tpu.memory_space<vmem_shared>> -> memref<4096xf32, #tpu.memory_space<vmem_shared>>
      %dma_start3A_189 = tpu.memref_slice %arg21[%add3A_19] : memref<524288xf32, #tpu.memory_space<vmem_shared>> -> memref<4096xf32, #tpu.memory_space<vmem_shared>>
      tpu.enqueue_dma source(%arg10 : memref<4096xf32, #tpu.memory_space<vmem>>) target(%dma_start3A_189 : memref<4096xf32, #tpu.memory_space<vmem_shared>>) target_semaphore(%run_scoped3A : memref<!tpu.dma_semaphore, #tpu.memory_space<semaphore_mem>>)
      %dma_wait3A_190 = tpu.memref_slice %arg21[%add3A_19] : memref<524288xf32, #tpu.memory_space<vmem_shared>> -> memref<4096xf32, #tpu.memory_space<vmem_shared>>
      %dma_wait3A_191 = tpu.memref_slice %arg21[%add3A_19] : memref<524288xf32, #tpu.memory_space<vmem_shared>> -> memref<4096xf32, #tpu.memory_space<vmem_shared>>
      tpu.wait_dma2 semaphore(%run_scoped3A : memref<!tpu.dma_semaphore, #tpu.memory_space<semaphore_mem>>) src(%arg10 : memref<4096xf32, #tpu.memory_space<vmem>>) dst(%dma_wait3A_191 : memref<4096xf32, #tpu.memory_space<vmem_shared>>)
      tpu.yield
    }) : () -> ()
    %mul3A_20 = arith.constant 32768 : i32
    %mul3A_21 = arith.muli %arg1, %mul3A_20 : i32
    %add3A_22 = arith.constant 8192 : i32
    %add3A_23 = arith.addi %mul3A_21, %add3A_22 : i32
    "tpu.region"() ({
      %run_scoped3A = tpu.sem_alloc : memref<!tpu.dma_semaphore, #tpu.memory_space<semaphore_mem>>
      %dma_start3A_188 = tpu.memref_slice %arg21[%add3A_23] : memref<524288xf32, #tpu.memory_space<vmem_shared>> -> memref<4096xf32, #tpu.memory_space<vmem_shared>>
      %dma_start3A_189 = tpu.memref_slice %arg21[%add3A_23] : memref<524288xf32, #tpu.memory_space<vmem_shared>> -> memref<4096xf32, #tpu.memory_space<vmem_shared>>
      tpu.enqueue_dma source(%arg10 : memref<4096xf32, #tpu.memory_space<vmem>>) target(%dma_start3A_189 : memref<4096xf32, #tpu.memory_space<vmem_shared>>) target_semaphore(%run_scoped3A : memref<!tpu.dma_semaphore, #tpu.memory_space<semaphore_mem>>)
      %dma_wait3A_190 = tpu.memref_slice %arg21[%add3A_23] : memref<524288xf32, #tpu.memory_space<vmem_shared>> -> memref<4096xf32, #tpu.memory_space<vmem_shared>>
      %dma_wait3A_191 = tpu.memref_slice %arg21[%add3A_23] : memref<524288xf32, #tpu.memory_space<vmem_shared>> -> memref<4096xf32, #tpu.memory_space<vmem_shared>>
      tpu.wait_dma2 semaphore(%run_scoped3A : memref<!tpu.dma_semaphore, #tpu.memory_space<semaphore_mem>>) src(%arg10 : memref<4096xf32, #tpu.memory_space<vmem>>) dst(%dma_wait3A_191 : memref<4096xf32, #tpu.memory_space<vmem_shared>>)
      tpu.yield
    }) : () -> ()
    %mul3A_24 = arith.constant 32768 : i32
    %mul3A_25 = arith.muli %arg1, %mul3A_24 : i32
    %add3A_26 = arith.constant 12288 : i32
    %add3A_27 = arith.addi %mul3A_25, %add3A_26 : i32
    "tpu.region"() ({
      %run_scoped3A = tpu.sem_alloc : memref<!tpu.dma_semaphore, #tpu.memory_space<semaphore_mem>>
      %dma_start3A_188 = tpu.memref_slice %arg21[%add3A_27] : memref<524288xf32, #tpu.memory_space<vmem_shared>> -> memref<4096xf32, #tpu.memory_space<vmem_shared>>
      %dma_start3A_189 = tpu.memref_slice %arg21[%add3A_27] : memref<524288xf32, #tpu.memory_space<vmem_shared>> -> memref<4096xf32, #tpu.memory_space<vmem_shared>>
      tpu.enqueue_dma source(%arg10 : memref<4096xf32, #tpu.memory_space<vmem>>) target(%dma_start3A_189 : memref<4096xf32, #tpu.memory_space<vmem_shared>>) target_semaphore(%run_scoped3A : memref<!tpu.dma_semaphore, #tpu.memory_space<semaphore_mem>>)
      %dma_wait3A_190 = tpu.memref_slice %arg21[%add3A_27] : memref<524288xf32, #tpu.memory_space<vmem_shared>> -> memref<4096xf32, #tpu.memory_space<vmem_shared>>
      %dma_wait3A_191 = tpu.memref_slice %arg21[%add3A_27] : memref<524288xf32, #tpu.memory_space<vmem_shared>> -> memref<4096xf32, #tpu.memory_space<vmem_shared>>
      tpu.wait_dma2 semaphore(%run_scoped3A : memref<!tpu.dma_semaphore, #tpu.memory_space<semaphore_mem>>) src(%arg10 : memref<4096xf32, #tpu.memory_space<vmem>>) dst(%dma_wait3A_191 : memref<4096xf32, #tpu.memory_space<vmem_shared>>)
      tpu.yield
    }) : () -> ()
    %mul3A_28 = arith.constant 32768 : i32
    %mul3A_29 = arith.muli %arg1, %mul3A_28 : i32
    %add3A_30 = arith.constant 16384 : i32
    %add3A_31 = arith.addi %mul3A_29, %add3A_30 : i32
    "tpu.region"() ({
      %run_scoped3A = tpu.sem_alloc : memref<!tpu.dma_semaphore, #tpu.memory_space<semaphore_mem>>
      %dma_start3A_188 = tpu.memref_slice %arg21[%add3A_31] : memref<524288xf32, #tpu.memory_space<vmem_shared>> -> memref<4096xf32, #tpu.memory_space<vmem_shared>>
      %dma_start3A_189 = tpu.memref_slice %arg21[%add3A_31] : memref<524288xf32, #tpu.memory_space<vmem_shared>> -> memref<4096xf32, #tpu.memory_space<vmem_shared>>
      tpu.enqueue_dma source(%arg10 : memref<4096xf32, #tpu.memory_space<vmem>>) target(%dma_start3A_189 : memref<4096xf32, #tpu.memory_space<vmem_shared>>) target_semaphore(%run_scoped3A : memref<!tpu.dma_semaphore, #tpu.memory_space<semaphore_mem>>)
      %dma_wait3A_190 = tpu.memref_slice %arg21[%add3A_31] : memref<524288xf32, #tpu.memory_space<vmem_shared>> -> memref<4096xf32, #tpu.memory_space<vmem_shared>>
      %dma_wait3A_191 = tpu.memref_slice %arg21[%add3A_31] : memref<524288xf32, #tpu.memory_space<vmem_shared>> -> memref<4096xf32, #tpu.memory_space<vmem_shared>>
      tpu.wait_dma2 semaphore(%run_scoped3A : memref<!tpu.dma_semaphore, #tpu.memory_space<semaphore_mem>>) src(%arg10 : memref<4096xf32, #tpu.memory_space<vmem>>) dst(%dma_wait3A_191 : memref<4096xf32, #tpu.memory_space<vmem_shared>>)
      tpu.yield
    }) : () -> ()
    %mul3A_32 = arith.constant 32768 : i32
    %mul3A_33 = arith.muli %arg1, %mul3A_32 : i32
    %add3A_34 = arith.constant 20480 : i32
    %add3A_35 = arith.addi %mul3A_33, %add3A_34 : i32
    "tpu.region"() ({
      %run_scoped3A = tpu.sem_alloc : memref<!tpu.dma_semaphore, #tpu.memory_space<semaphore_mem>>
      %dma_start3A_188 = tpu.memref_slice %arg21[%add3A_35] : memref<524288xf32, #tpu.memory_space<vmem_shared>> -> memref<4096xf32, #tpu.memory_space<vmem_shared>>
      %dma_start3A_189 = tpu.memref_slice %arg21[%add3A_35] : memref<524288xf32, #tpu.memory_space<vmem_shared>> -> memref<4096xf32, #tpu.memory_space<vmem_shared>>
      tpu.enqueue_dma source(%arg10 : memref<4096xf32, #tpu.memory_space<vmem>>) target(%dma_start3A_189 : memref<4096xf32, #tpu.memory_space<vmem_shared>>) target_semaphore(%run_scoped3A : memref<!tpu.dma_semaphore, #tpu.memory_space<semaphore_mem>>)
      %dma_wait3A_190 = tpu.memref_slice %arg21[%add3A_35] : memref<524288xf32, #tpu.memory_space<vmem_shared>> -> memref<4096xf32, #tpu.memory_space<vmem_shared>>
      %dma_wait3A_191 = tpu.memref_slice %arg21[%add3A_35] : memref<524288xf32, #tpu.memory_space<vmem_shared>> -> memref<4096xf32, #tpu.memory_space<vmem_shared>>
      tpu.wait_dma2 semaphore(%run_scoped3A : memref<!tpu.dma_semaphore, #tpu.memory_space<semaphore_mem>>) src(%arg10 : memref<4096xf32, #tpu.memory_space<vmem>>) dst(%dma_wait3A_191 : memref<4096xf32, #tpu.memory_space<vmem_shared>>)
      tpu.yield
    }) : () -> ()
    %mul3A_36 = arith.constant 32768 : i32
    %mul3A_37 = arith.muli %arg1, %mul3A_36 : i32
    %add3A_38 = arith.constant 24576 : i32
    %add3A_39 = arith.addi %mul3A_37, %add3A_38 : i32
    "tpu.region"() ({
      %run_scoped3A = tpu.sem_alloc : memref<!tpu.dma_semaphore, #tpu.memory_space<semaphore_mem>>
      %dma_start3A_188 = tpu.memref_slice %arg21[%add3A_39] : memref<524288xf32, #tpu.memory_space<vmem_shared>> -> memref<4096xf32, #tpu.memory_space<vmem_shared>>
      %dma_start3A_189 = tpu.memref_slice %arg21[%add3A_39] : memref<524288xf32, #tpu.memory_space<vmem_shared>> -> memref<4096xf32, #tpu.memory_space<vmem_shared>>
      tpu.enqueue_dma source(%arg10 : memref<4096xf32, #tpu.memory_space<vmem>>) target(%dma_start3A_189 : memref<4096xf32, #tpu.memory_space<vmem_shared>>) target_semaphore(%run_scoped3A : memref<!tpu.dma_semaphore, #tpu.memory_space<semaphore_mem>>)
      %dma_wait3A_190 = tpu.memref_slice %arg21[%add3A_39] : memref<524288xf32, #tpu.memory_space<vmem_shared>> -> memref<4096xf32, #tpu.memory_space<vmem_shared>>
      %dma_wait3A_191 = tpu.memref_slice %arg21[%add3A_39] : memref<524288xf32, #tpu.memory_space<vmem_shared>> -> memref<4096xf32, #tpu.memory_space<vmem_shared>>
      tpu.wait_dma2 semaphore(%run_scoped3A : memref<!tpu.dma_semaphore, #tpu.memory_space<semaphore_mem>>) src(%arg10 : memref<4096xf32, #tpu.memory_space<vmem>>) dst(%dma_wait3A_191 : memref<4096xf32, #tpu.memory_space<vmem_shared>>)
      tpu.yield
    }) : () -> ()
    %mul3A_40 = arith.constant 32768 : i32
    %mul3A_41 = arith.muli %arg1, %mul3A_40 : i32
    %add3A_42 = arith.constant 28672 : i32
    %add3A_43 = arith.addi %mul3A_41, %add3A_42 : i32
    "tpu.region"() ({
      %run_scoped3A = tpu.sem_alloc : memref<!tpu.dma_semaphore, #tpu.memory_space<semaphore_mem>>
      %dma_start3A_188 = tpu.memref_slice %arg21[%add3A_43] : memref<524288xf32, #tpu.memory_space<vmem_shared>> -> memref<4096xf32, #tpu.memory_space<vmem_shared>>
      %dma_start3A_189 = tpu.memref_slice %arg21[%add3A_43] : memref<524288xf32, #tpu.memory_space<vmem_shared>> -> memref<4096xf32, #tpu.memory_space<vmem_shared>>
      tpu.enqueue_dma source(%arg10 : memref<4096xf32, #tpu.memory_space<vmem>>) target(%dma_start3A_189 : memref<4096xf32, #tpu.memory_space<vmem_shared>>) target_semaphore(%run_scoped3A : memref<!tpu.dma_semaphore, #tpu.memory_space<semaphore_mem>>)
      %dma_wait3A_190 = tpu.memref_slice %arg21[%add3A_43] : memref<524288xf32, #tpu.memory_space<vmem_shared>> -> memref<4096xf32, #tpu.memory_space<vmem_shared>>
      %dma_wait3A_191 = tpu.memref_slice %arg21[%add3A_43] : memref<524288xf32, #tpu.memory_space<vmem_shared>> -> memref<4096xf32, #tpu.memory_space<vmem_shared>>
      tpu.wait_dma2 semaphore(%run_scoped3A : memref<!tpu.dma_semaphore, #tpu.memory_space<semaphore_mem>>) src(%arg10 : memref<4096xf32, #tpu.memory_space<vmem>>) dst(%dma_wait3A_191 : memref<4096xf32, #tpu.memory_space<vmem_shared>>)
      tpu.yield
    }) : () -> ()
    %barrier3A = arith.constant 0 : index
    tpu.barrier barrier_id(%barrier3A)
    %add3A_44 = arith.constant 0 : i32
    %add3A_45 = arith.addi %mul3A_2, %add3A_44 : i32
    %dma_start3A = arith.constant 0 : i32
    %dma_start3A_46 = tpu.memref_slice %arg3[%dma_start3A, %add3A_45] : memref<2x16777216xi32, #tpu.memory_space<hbm>> -> memref<1x4096xi32, #tpu.memory_space<hbm>>
    %dma_start3A_47 = tpu.memref_squeeze %dma_start3A_46 : memref<1x4096xi32, #tpu.memory_space<hbm>> -> memref<4096xi32, #tpu.memory_space<hbm>>
    %dma_start3A_48 = tpu.memref_slice %arg3[%dma_start3A, %add3A_45] : memref<2x16777216xi32, #tpu.memory_space<hbm>> -> memref<1x4096xi32, #tpu.memory_space<hbm>>
    %dma_start3A_49 = tpu.memref_squeeze %dma_start3A_48 : memref<1x4096xi32, #tpu.memory_space<hbm>> -> memref<4096xi32, #tpu.memory_space<hbm>>
    tpu.enqueue_dma source(%dma_start3A_49 : memref<4096xi32, #tpu.memory_space<hbm>>) target(%arg7 : memref<4096xi32, #tpu.memory_space<vmem>>) target_semaphore(%arg22 : memref<!tpu.dma_semaphore, #tpu.memory_space<semaphore_mem>>)
    %dma_start3A_50 = arith.constant 1 : i32
    %dma_start3A_51 = tpu.memref_slice %arg3[%dma_start3A_50, %add3A_45] : memref<2x16777216xi32, #tpu.memory_space<hbm>> -> memref<1x4096xi32, #tpu.memory_space<hbm>>
    %dma_start3A_52 = tpu.memref_squeeze %dma_start3A_51 : memref<1x4096xi32, #tpu.memory_space<hbm>> -> memref<4096xi32, #tpu.memory_space<hbm>>
    %dma_start3A_53 = tpu.memref_slice %arg3[%dma_start3A_50, %add3A_45] : memref<2x16777216xi32, #tpu.memory_space<hbm>> -> memref<1x4096xi32, #tpu.memory_space<hbm>>
    %dma_start3A_54 = tpu.memref_squeeze %dma_start3A_53 : memref<1x4096xi32, #tpu.memory_space<hbm>> -> memref<4096xi32, #tpu.memory_space<hbm>>
    tpu.enqueue_dma source(%dma_start3A_54 : memref<4096xi32, #tpu.memory_space<hbm>>) target(%arg8 : memref<4096xi32, #tpu.memory_space<vmem>>) target_semaphore(%arg22 : memref<!tpu.dma_semaphore, #tpu.memory_space<semaphore_mem>>)
    %dma_start3A_55 = tpu.memref_slice %arg4[%add3A_45] : memref<16777216xi32, #tpu.memory_space<hbm>> -> memref<4096xi32, #tpu.memory_space<hbm>>
    %dma_start3A_56 = tpu.memref_slice %arg4[%add3A_45] : memref<16777216xi32, #tpu.memory_space<hbm>> -> memref<4096xi32, #tpu.memory_space<hbm>>
    tpu.enqueue_dma source(%dma_start3A_56 : memref<4096xi32, #tpu.memory_space<hbm>>) target(%arg9 : memref<4096xi32, #tpu.memory_space<vmem>>) target_semaphore(%arg22 : memref<!tpu.dma_semaphore, #tpu.memory_space<semaphore_mem>>)
    %add3A_57 = arith.constant 0 : i32
    %add3A_58 = arith.addi %mul3A_2, %add3A_57 : i32
    %dma_wait3A = arith.constant 0 : i32
    %dma_wait3A_59 = tpu.memref_slice %arg3[%dma_wait3A, %add3A_58] : memref<2x16777216xi32, #tpu.memory_space<hbm>> -> memref<1x4096xi32, #tpu.memory_space<hbm>>
    %dma_wait3A_60 = tpu.memref_squeeze %dma_wait3A_59 : memref<1x4096xi32, #tpu.memory_space<hbm>> -> memref<4096xi32, #tpu.memory_space<hbm>>
    %dma_wait3A_61 = tpu.memref_slice %arg3[%dma_wait3A, %add3A_58] : memref<2x16777216xi32, #tpu.memory_space<hbm>> -> memref<1x4096xi32, #tpu.memory_space<hbm>>
    %dma_wait3A_62 = tpu.memref_squeeze %dma_wait3A_61 : memref<1x4096xi32, #tpu.memory_space<hbm>> -> memref<4096xi32, #tpu.memory_space<hbm>>
    tpu.wait_dma2 semaphore(%arg22 : memref<!tpu.dma_semaphore, #tpu.memory_space<semaphore_mem>>) src(%dma_wait3A_62 : memref<4096xi32, #tpu.memory_space<hbm>>) dst(%arg7 : memref<4096xi32, #tpu.memory_space<vmem>>)
    %dma_wait3A_63 = arith.constant 1 : i32
    %dma_wait3A_64 = tpu.memref_slice %arg3[%dma_wait3A_63, %add3A_58] : memref<2x16777216xi32, #tpu.memory_space<hbm>> -> memref<1x4096xi32, #tpu.memory_space<hbm>>
    %dma_wait3A_65 = tpu.memref_squeeze %dma_wait3A_64 : memref<1x4096xi32, #tpu.memory_space<hbm>> -> memref<4096xi32, #tpu.memory_space<hbm>>
    %dma_wait3A_66 = tpu.memref_slice %arg3[%dma_wait3A_63, %add3A_58] : memref<2x16777216xi32, #tpu.memory_space<hbm>> -> memref<1x4096xi32, #tpu.memory_space<hbm>>
    %dma_wait3A_67 = tpu.memref_squeeze %dma_wait3A_66 : memref<1x4096xi32, #tpu.memory_space<hbm>> -> memref<4096xi32, #tpu.memory_space<hbm>>
    tpu.wait_dma2 semaphore(%arg22 : memref<!tpu.dma_semaphore, #tpu.memory_space<semaphore_mem>>) src(%dma_wait3A_67 : memref<4096xi32, #tpu.memory_space<hbm>>) dst(%arg8 : memref<4096xi32, #tpu.memory_space<vmem>>)
    %dma_wait3A_68 = tpu.memref_slice %arg4[%add3A_58] : memref<16777216xi32, #tpu.memory_space<hbm>> -> memref<4096xi32, #tpu.memory_space<hbm>>
    %dma_wait3A_69 = tpu.memref_slice %arg4[%add3A_58] : memref<16777216xi32, #tpu.memory_space<hbm>> -> memref<4096xi32, #tpu.memory_space<hbm>>
    tpu.wait_dma2 semaphore(%arg22 : memref<!tpu.dma_semaphore, #tpu.memory_space<semaphore_mem>>) src(%dma_wait3A_69 : memref<4096xi32, #tpu.memory_space<hbm>>) dst(%arg9 : memref<4096xi32, #tpu.memory_space<vmem>>)
    %dma_start3A_70 = arith.constant 0 : i32
    %dma_start3A_71 = tpu.memref_slice %arg20[%dma_start3A_70] : memref<524288xf32, #tpu.memory_space<vmem_shared>> -> memref<524288xf32, #tpu.memory_space<vmem_shared>>
    tpu.enqueue_indirect_dma source(%dma_start3A_71 : memref<524288xf32, #tpu.memory_space<vmem_shared>>) target(%arg10 : memref<4096xf32, #tpu.memory_space<vmem>>) offsets(%arg7 : memref<4096xi32, #tpu.memory_space<vmem>>) semaphore(%arg25 : memref<!tpu.dma_semaphore, #tpu.memory_space<semaphore_mem>>)
    %add3A_72 = arith.constant 4096 : i32
    %add3A_73 = arith.addi %mul3A_2, %add3A_72 : i32
    %dma_start3A_74 = arith.constant 0 : i32
    %dma_start3A_75 = tpu.memref_slice %arg3[%dma_start3A_74, %add3A_73] : memref<2x16777216xi32, #tpu.memory_space<hbm>> -> memref<1x4096xi32, #tpu.memory_space<hbm>>
    %dma_start3A_76 = tpu.memref_squeeze %dma_start3A_75 : memref<1x4096xi32, #tpu.memory_space<hbm>> -> memref<4096xi32, #tpu.memory_space<hbm>>
    %dma_start3A_77 = tpu.memref_slice %arg3[%dma_start3A_74, %add3A_73] : memref<2x16777216xi32, #tpu.memory_space<hbm>> -> memref<1x4096xi32, #tpu.memory_space<hbm>>
    %dma_start3A_78 = tpu.memref_squeeze %dma_start3A_77 : memref<1x4096xi32, #tpu.memory_space<hbm>> -> memref<4096xi32, #tpu.memory_space<hbm>>
    tpu.enqueue_dma source(%dma_start3A_78 : memref<4096xi32, #tpu.memory_space<hbm>>) target(%arg11 : memref<4096xi32, #tpu.memory_space<vmem>>) target_semaphore(%arg23 : memref<!tpu.dma_semaphore, #tpu.memory_space<semaphore_mem>>)
    %dma_start3A_79 = arith.constant 1 : i32
    %dma_start3A_80 = tpu.memref_slice %arg3[%dma_start3A_79, %add3A_73] : memref<2x16777216xi32, #tpu.memory_space<hbm>> -> memref<1x4096xi32, #tpu.memory_space<hbm>>
    %dma_start3A_81 = tpu.memref_squeeze %dma_start3A_80 : memref<1x4096xi32, #tpu.memory_space<hbm>> -> memref<4096xi32, #tpu.memory_space<hbm>>
    %dma_start3A_82 = tpu.memref_slice %arg3[%dma_start3A_79, %add3A_73] : memref<2x16777216xi32, #tpu.memory_space<hbm>> -> memref<1x4096xi32, #tpu.memory_space<hbm>>
    %dma_start3A_83 = tpu.memref_squeeze %dma_start3A_82 : memref<1x4096xi32, #tpu.memory_space<hbm>> -> memref<4096xi32, #tpu.memory_space<hbm>>
    tpu.enqueue_dma source(%dma_start3A_83 : memref<4096xi32, #tpu.memory_space<hbm>>) target(%arg12 : memref<4096xi32, #tpu.memory_space<vmem>>) target_semaphore(%arg23 : memref<!tpu.dma_semaphore, #tpu.memory_space<semaphore_mem>>)
    %dma_start3A_84 = tpu.memref_slice %arg4[%add3A_73] : memref<16777216xi32, #tpu.memory_space<hbm>> -> memref<4096xi32, #tpu.memory_space<hbm>>
    %dma_start3A_85 = tpu.memref_slice %arg4[%add3A_73] : memref<16777216xi32, #tpu.memory_space<hbm>> -> memref<4096xi32, #tpu.memory_space<hbm>>
    tpu.enqueue_dma source(%dma_start3A_85 : memref<4096xi32, #tpu.memory_space<hbm>>) target(%arg13 : memref<4096xi32, #tpu.memory_space<vmem>>) target_semaphore(%arg23 : memref<!tpu.dma_semaphore, #tpu.memory_space<semaphore_mem>>)
    %dma_wait3A_86 = arith.constant 0 : i32
    %dma_wait3A_87 = tpu.memref_slice %arg20[%dma_wait3A_86] : memref<524288xf32, #tpu.memory_space<vmem_shared>> -> memref<524288xf32, #tpu.memory_space<vmem_shared>>
    tpu.wait_indirect_dma semaphore(%arg25 : memref<!tpu.dma_semaphore, #tpu.memory_space<semaphore_mem>>) src(%dma_wait3A_87 : memref<524288xf32, #tpu.memory_space<vmem_shared>>) dst(%arg10 : memref<4096xf32, #tpu.memory_space<vmem>>)
    %parallel_loop3A = arith.constant 0 : i32
    %parallel_loop3A_88 = arith.constant 4096 : i32
    %parallel_loop3A_89 = arith.constant 16 : i32
    scf.for %parallel_loop3A_188 = %parallel_loop3A to %parallel_loop3A_88 step %parallel_loop3A_89  : i32 {
      %parallel_loop3A_189 = arith.index_cast %parallel_loop3A_188 : i32 to index
      %parallel_loop3A_190 = tpu.vector_load %arg9[%parallel_loop3A_189] {strides = array<i32>} : memref<4096xi32, #tpu.memory_space<vmem>>, vector<16xi32>,
      %parallel_loop3A_191 = tpu.vector_load_idx %arg19[%parallel_loop3A_190] : memref<128xf32, #tpu.memory_space<vmem>>[vector<16xi32>], vector<16xf32>,
      %parallel_loop3A_192 = arith.index_cast %parallel_loop3A_188 : i32 to index
      %parallel_loop3A_193 = tpu.vector_load %arg10[%parallel_loop3A_192] {strides = array<i32>} : memref<4096xf32, #tpu.memory_space<vmem>>, vector<16xf32>,
      %parallel_loop3A_194 = arith.mulf %parallel_loop3A_193, %parallel_loop3A_191 : vector<16xf32>
      %parallel_loop3A_195 = arith.index_cast %parallel_loop3A_188 : i32 to index
      %parallel_loop3A_196 = tpu.vector_load %arg10[%parallel_loop3A_195] {strides = array<i32>} : memref<4096xf32, #tpu.memory_space<vmem>>, vector<16xf32>,
      tpu.vector_store %arg10[%parallel_loop3A_195], %parallel_loop3A_194 {strides = array<i32>} : memref<4096xf32, #tpu.memory_space<vmem>>, vector<16xf32>,
    } {sc.loop_unroll_factor = 4 : i64, sc.parallel_access}
    %dma_start3A_90 = arith.constant 0 : i32
    %dma_start3A_91 = tpu.memref_slice %arg21[%dma_start3A_90] : memref<524288xf32, #tpu.memory_space<vmem_shared>> -> memref<524288xf32, #tpu.memory_space<vmem_shared>>
    tpu.enqueue_indirect_dma source(%arg10 : memref<4096xf32, #tpu.memory_space<vmem>>) target(%dma_start3A_91 : memref<524288xf32, #tpu.memory_space<vmem_shared>>) offsets(%arg8 : memref<4096xi32, #tpu.memory_space<vmem>>) semaphore(%arg26 : memref<!tpu.dma_semaphore, #tpu.memory_space<semaphore_mem>>) {add = true}
    %add3A_92 = arith.constant 4096 : i32
    %add3A_93 = arith.addi %mul3A_2, %add3A_92 : i32
    %dma_wait3A_94 = arith.constant 0 : i32
    %dma_wait3A_95 = tpu.memref_slice %arg3[%dma_wait3A_94, %add3A_93] : memref<2x16777216xi32, #tpu.memory_space<hbm>> -> memref<1x4096xi32, #tpu.memory_space<hbm>>
    %dma_wait3A_96 = tpu.memref_squeeze %dma_wait3A_95 : memref<1x4096xi32, #tpu.memory_space<hbm>> -> memref<4096xi32, #tpu.memory_space<hbm>>
    %dma_wait3A_97 = tpu.memref_slice %arg3[%dma_wait3A_94, %add3A_93] : memref<2x16777216xi32, #tpu.memory_space<hbm>> -> memref<1x4096xi32, #tpu.memory_space<hbm>>
    %dma_wait3A_98 = tpu.memref_squeeze %dma_wait3A_97 : memref<1x4096xi32, #tpu.memory_space<hbm>> -> memref<4096xi32, #tpu.memory_space<hbm>>
    tpu.wait_dma2 semaphore(%arg23 : memref<!tpu.dma_semaphore, #tpu.memory_space<semaphore_mem>>) src(%dma_wait3A_98 : memref<4096xi32, #tpu.memory_space<hbm>>) dst(%arg11 : memref<4096xi32, #tpu.memory_space<vmem>>)
    %dma_wait3A_99 = arith.constant 1 : i32
    %dma_wait3A_100 = tpu.memref_slice %arg3[%dma_wait3A_99, %add3A_93] : memref<2x16777216xi32, #tpu.memory_space<hbm>> -> memref<1x4096xi32, #tpu.memory_space<hbm>>
    %dma_wait3A_101 = tpu.memref_squeeze %dma_wait3A_100 : memref<1x4096xi32, #tpu.memory_space<hbm>> -> memref<4096xi32, #tpu.memory_space<hbm>>
    %dma_wait3A_102 = tpu.memref_slice %arg3[%dma_wait3A_99, %add3A_93] : memref<2x16777216xi32, #tpu.memory_space<hbm>> -> memref<1x4096xi32, #tpu.memory_space<hbm>>
    %dma_wait3A_103 = tpu.memref_squeeze %dma_wait3A_102 : memref<1x4096xi32, #tpu.memory_space<hbm>> -> memref<4096xi32, #tpu.memory_space<hbm>>
    tpu.wait_dma2 semaphore(%arg23 : memref<!tpu.dma_semaphore, #tpu.memory_space<semaphore_mem>>) src(%dma_wait3A_103 : memref<4096xi32, #tpu.memory_space<hbm>>) dst(%arg12 : memref<4096xi32, #tpu.memory_space<vmem>>)
    %dma_wait3A_104 = tpu.memref_slice %arg4[%add3A_93] : memref<16777216xi32, #tpu.memory_space<hbm>> -> memref<4096xi32, #tpu.memory_space<hbm>>
    %dma_wait3A_105 = tpu.memref_slice %arg4[%add3A_93] : memref<16777216xi32, #tpu.memory_space<hbm>> -> memref<4096xi32, #tpu.memory_space<hbm>>
    tpu.wait_dma2 semaphore(%arg23 : memref<!tpu.dma_semaphore, #tpu.memory_space<semaphore_mem>>) src(%dma_wait3A_105 : memref<4096xi32, #tpu.memory_space<hbm>>) dst(%arg13 : memref<4096xi32, #tpu.memory_space<vmem>>)
    %dma_start3A_106 = arith.constant 0 : i32
    %dma_start3A_107 = tpu.memref_slice %arg20[%dma_start3A_106] : memref<524288xf32, #tpu.memory_space<vmem_shared>> -> memref<524288xf32, #tpu.memory_space<vmem_shared>>
    tpu.enqueue_indirect_dma source(%dma_start3A_107 : memref<524288xf32, #tpu.memory_space<vmem_shared>>) target(%arg14 : memref<4096xf32, #tpu.memory_space<vmem>>) offsets(%arg11 : memref<4096xi32, #tpu.memory_space<vmem>>) semaphore(%arg25 : memref<!tpu.dma_semaphore, #tpu.memory_space<semaphore_mem>>)
    %add3A_108 = arith.constant 8192 : i32
    %add3A_109 = arith.addi %mul3A_2, %add3A_108 : i32
    %dma_start3A_110 = arith.constant 0 : i32
    %dma_start3A_111 = tpu.memref_slice %arg3[%dma_start3A_110, %add3A_109] : memref<2x16777216xi32, #tpu.memory_space<hbm>> -> memref<1x4096xi32, #tpu.memory_space<hbm>>
    %dma_start3A_112 = tpu.memref_squeeze %dma_start3A_111 : memref<1x4096xi32, #tpu.memory_space<hbm>> -> memref<4096xi32, #tpu.memory_space<hbm>>
    %dma_start3A_113 = tpu.memref_slice %arg3[%dma_start3A_110, %add3A_109] : memref<2x16777216xi32, #tpu.memory_space<hbm>> -> memref<1x4096xi32, #tpu.memory_space<hbm>>
    %dma_start3A_114 = tpu.memref_squeeze %dma_start3A_113 : memref<1x4096xi32, #tpu.memory_space<hbm>> -> memref<4096xi32, #tpu.memory_space<hbm>>
    tpu.enqueue_dma source(%dma_start3A_114 : memref<4096xi32, #tpu.memory_space<hbm>>) target(%arg15 : memref<4096xi32, #tpu.memory_space<vmem>>) target_semaphore(%arg24 : memref<!tpu.dma_semaphore, #tpu.memory_space<semaphore_mem>>)
    %dma_start3A_115 = arith.constant 1 : i32
    %dma_start3A_116 = tpu.memref_slice %arg3[%dma_start3A_115, %add3A_109] : memref<2x16777216xi32, #tpu.memory_space<hbm>> -> memref<1x4096xi32, #tpu.memory_space<hbm>>
    %dma_start3A_117 = tpu.memref_squeeze %dma_start3A_116 : memref<1x4096xi32, #tpu.memory_space<hbm>> -> memref<4096xi32, #tpu.memory_space<hbm>>
    %dma_start3A_118 = tpu.memref_slice %arg3[%dma_start3A_115, %add3A_109] : memref<2x16777216xi32, #tpu.memory_space<hbm>> -> memref<1x4096xi32, #tpu.memory_space<hbm>>
    %dma_start3A_119 = tpu.memref_squeeze %dma_start3A_118 : memref<1x4096xi32, #tpu.memory_space<hbm>> -> memref<4096xi32, #tpu.memory_space<hbm>>
    tpu.enqueue_dma source(%dma_start3A_119 : memref<4096xi32, #tpu.memory_space<hbm>>) target(%arg16 : memref<4096xi32, #tpu.memory_space<vmem>>) target_semaphore(%arg24 : memref<!tpu.dma_semaphore, #tpu.memory_space<semaphore_mem>>)
    %dma_start3A_120 = tpu.memref_slice %arg4[%add3A_109] : memref<16777216xi32, #tpu.memory_space<hbm>> -> memref<4096xi32, #tpu.memory_space<hbm>>
    %dma_start3A_121 = tpu.memref_slice %arg4[%add3A_109] : memref<16777216xi32, #tpu.memory_space<hbm>> -> memref<4096xi32, #tpu.memory_space<hbm>>
    tpu.enqueue_dma source(%dma_start3A_121 : memref<4096xi32, #tpu.memory_space<hbm>>) target(%arg17 : memref<4096xi32, #tpu.memory_space<vmem>>) target_semaphore(%arg24 : memref<!tpu.dma_semaphore, #tpu.memory_space<semaphore_mem>>)
    %scan3A_122 = arith.constant 0 : i32
    %scan3A_123 = arith.constant 0 : i32
    %scan3A_124 = arith.constant 42 : i32
    %scan3A_125 = arith.addi %scan3A_123, %scan3A_124 : i32
    %scan3A_126 = arith.constant 1 : i32
    scf.for %scan3A_188 = %scan3A_123 to %scan3A_125 step %scan3A_126  : i32 {
      %mul3A_189 = arith.constant 3 : i32
      %mul3A_190 = arith.muli %scan3A_188, %mul3A_189 : i32
      %add3A_191 = arith.constant 1 : i32
      %add3A_192 = arith.addi %add3A_191, %mul3A_190 : i32
      %add3A_193 = arith.constant 0 : i32
      %add3A_194 = arith.addi %add3A_192, %add3A_193 : i32
      %dma_wait3A_195 = arith.constant 0 : i32
      %dma_wait3A_196 = tpu.memref_slice %arg20[%dma_wait3A_195] : memref<524288xf32, #tpu.memory_space<vmem_shared>> -> memref<524288xf32, #tpu.memory_space<vmem_shared>>
      tpu.wait_indirect_dma semaphore(%arg25 : memref<!tpu.dma_semaphore, #tpu.memory_space<semaphore_mem>>) src(%dma_wait3A_196 : memref<524288xf32, #tpu.memory_space<vmem_shared>>) dst(%arg14 : memref<4096xf32, #tpu.memory_space<vmem>>)
      %parallel_loop3A_197 = arith.constant 0 : i32
      %parallel_loop3A_198 = arith.constant 4096 : i32
      %parallel_loop3A_199 = arith.constant 16 : i32
      scf.for %parallel_loop3A_353 = %parallel_loop3A_197 to %parallel_loop3A_198 step %parallel_loop3A_199  : i32 {
        %parallel_loop3A_354 = arith.index_cast %parallel_loop3A_353 : i32 to index
        %parallel_loop3A_355 = tpu.vector_load %arg13[%parallel_loop3A_354] {strides = array<i32>} : memref<4096xi32, #tpu.memory_space<vmem>>, vector<16xi32>,
        %parallel_loop3A_356 = tpu.vector_load_idx %arg19[%parallel_loop3A_355] : memref<128xf32, #tpu.memory_space<vmem>>[vector<16xi32>], vector<16xf32>,
        %parallel_loop3A_357 = arith.index_cast %parallel_loop3A_353 : i32 to index
        %parallel_loop3A_358 = tpu.vector_load %arg14[%parallel_loop3A_357] {strides = array<i32>} : memref<4096xf32, #tpu.memory_space<vmem>>, vector<16xf32>,
        %parallel_loop3A_359 = arith.mulf %parallel_loop3A_358, %parallel_loop3A_356 : vector<16xf32>
        %parallel_loop3A_360 = arith.index_cast %parallel_loop3A_353 : i32 to index
        %parallel_loop3A_361 = tpu.vector_load %arg14[%parallel_loop3A_360] {strides = array<i32>} : memref<4096xf32, #tpu.memory_space<vmem>>, vector<16xf32>,
        tpu.vector_store %arg14[%parallel_loop3A_360], %parallel_loop3A_359 {strides = array<i32>} : memref<4096xf32, #tpu.memory_space<vmem>>, vector<16xf32>,
      } {sc.loop_unroll_factor = 4 : i64, sc.parallel_access}
      %dma_wait3A_200 = arith.constant 0 : i32
      %dma_wait3A_201 = tpu.memref_slice %arg21[%dma_wait3A_200] : memref<524288xf32, #tpu.memory_space<vmem_shared>> -> memref<524288xf32, #tpu.memory_space<vmem_shared>>
      tpu.wait_indirect_dma semaphore(%arg26 : memref<!tpu.dma_semaphore, #tpu.memory_space<semaphore_mem>>) src(%arg10 : memref<4096xf32, #tpu.memory_space<vmem>>) dst(%dma_wait3A_201 : memref<524288xf32, #tpu.memory_space<vmem_shared>>)
      %dma_start3A_202 = arith.constant 0 : i32
      %dma_start3A_203 = tpu.memref_slice %arg21[%dma_start3A_202] : memref<524288xf32, #tpu.memory_space<vmem_shared>> -> memref<524288xf32, #tpu.memory_space<vmem_shared>>
      tpu.enqueue_indirect_dma source(%arg14 : memref<4096xf32, #tpu.memory_space<vmem>>) target(%dma_start3A_203 : memref<524288xf32, #tpu.memory_space<vmem_shared>>) offsets(%arg12 : memref<4096xi32, #tpu.memory_space<vmem>>) semaphore(%arg26 : memref<!tpu.dma_semaphore, #tpu.memory_space<semaphore_mem>>) {add = true}
      %add3A_204 = arith.constant 1 : i32
      %add3A_205 = arith.addi %add3A_194, %add3A_204 : i32
      %min3A = arith.constant 127 : i32
      %min3A_206 = arith.minsi %add3A_205, %min3A : i32
      %mul3A_207 = arith.constant 4096 : i32
      %mul3A_208 = arith.muli %min3A_206, %mul3A_207 : i32
      %add3A_209 = arith.addi %mul3A_2, %mul3A_208 : i32
      %dma_wait3A_210 = arith.constant 0 : i32
      %dma_wait3A_211 = tpu.memref_slice %arg3[%dma_wait3A_210, %add3A_209] : memref<2x16777216xi32, #tpu.memory_space<hbm>> -> memref<1x4096xi32, #tpu.memory_space<hbm>>
      %dma_wait3A_212 = tpu.memref_squeeze %dma_wait3A_211 : memref<1x4096xi32, #tpu.memory_space<hbm>> -> memref<4096xi32, #tpu.memory_space<hbm>>
      %dma_wait3A_213 = tpu.memref_slice %arg3[%dma_wait3A_210, %add3A_209] : memref<2x16777216xi32, #tpu.memory_space<hbm>> -> memref<1x4096xi32, #tpu.memory_space<hbm>>
      %dma_wait3A_214 = tpu.memref_squeeze %dma_wait3A_213 : memref<1x4096xi32, #tpu.memory_space<hbm>> -> memref<4096xi32, #tpu.memory_space<hbm>>
      tpu.wait_dma2 semaphore(%arg24 : memref<!tpu.dma_semaphore, #tpu.memory_space<semaphore_mem>>) src(%dma_wait3A_214 : memref<4096xi32, #tpu.memory_space<hbm>>) dst(%arg15 : memref<4096xi32, #tpu.memory_space<vmem>>)
      %dma_wait3A_215 = arith.constant 1 : i32
      %dma_wait3A_216 = tpu.memref_slice %arg3[%dma_wait3A_215, %add3A_209] : memref<2x16777216xi32, #tpu.memory_space<hbm>> -> memref<1x4096xi32, #tpu.memory_space<hbm>>
      %dma_wait3A_217 = tpu.memref_squeeze %dma_wait3A_216 : memref<1x4096xi32, #tpu.memory_space<hbm>> -> memref<4096xi32, #tpu.memory_space<hbm>>
      %dma_wait3A_218 = tpu.memref_slice %arg3[%dma_wait3A_215, %add3A_209] : memref<2x16777216xi32, #tpu.memory_space<hbm>> -> memref<1x4096xi32, #tpu.memory_space<hbm>>
      %dma_wait3A_219 = tpu.memref_squeeze %dma_wait3A_218 : memref<1x4096xi32, #tpu.memory_space<hbm>> -> memref<4096xi32, #tpu.memory_space<hbm>>
      tpu.wait_dma2 semaphore(%arg24 : memref<!tpu.dma_semaphore, #tpu.memory_space<semaphore_mem>>) src(%dma_wait3A_219 : memref<4096xi32, #tpu.memory_space<hbm>>) dst(%arg16 : memref<4096xi32, #tpu.memory_space<vmem>>)
      %dma_wait3A_220 = tpu.memref_slice %arg4[%add3A_209] : memref<16777216xi32, #tpu.memory_space<hbm>> -> memref<4096xi32, #tpu.memory_space<hbm>>
      %dma_wait3A_221 = tpu.memref_slice %arg4[%add3A_209] : memref<16777216xi32, #tpu.memory_space<hbm>> -> memref<4096xi32, #tpu.memory_space<hbm>>
      tpu.wait_dma2 semaphore(%arg24 : memref<!tpu.dma_semaphore, #tpu.memory_space<semaphore_mem>>) src(%dma_wait3A_221 : memref<4096xi32, #tpu.memory_space<hbm>>) dst(%arg17 : memref<4096xi32, #tpu.memory_space<vmem>>)
      %dma_start3A_222 = arith.constant 0 : i32
      %dma_start3A_223 = tpu.memref_slice %arg20[%dma_start3A_222] : memref<524288xf32, #tpu.memory_space<vmem_shared>> -> memref<524288xf32, #tpu.memory_space<vmem_shared>>
      tpu.enqueue_indirect_dma source(%dma_start3A_223 : memref<524288xf32, #tpu.memory_space<vmem_shared>>) target(%arg18 : memref<4096xf32, #tpu.memory_space<vmem>>) offsets(%arg15 : memref<4096xi32, #tpu.memory_space<vmem>>) semaphore(%arg25 : memref<!tpu.dma_semaphore, #tpu.memory_space<semaphore_mem>>)
      %add3A_224 = arith.constant 2 : i32
      %add3A_225 = arith.addi %add3A_194, %add3A_224 : i32
      %min3A_226 = arith.constant 127 : i32
      %min3A_227 = arith.minsi %add3A_225, %min3A_226 : i32
      %mul3A_228 = arith.constant 4096 : i32
      %mul3A_229 = arith.muli %min3A_227, %mul3A_228 : i32
      %add3A_230 = arith.addi %mul3A_2, %mul3A_229 : i32
      %dma_start3A_231 = arith.constant 0 : i32
      %dma_start3A_232 = tpu.memref_slice %arg3[%dma_start3A_231, %add3A_230] : memref<2x16777216xi32, #tpu.memory_space<hbm>> -> memref<1x4096xi32, #tpu.memory_space<hbm>>
      %dma_start3A_233 = tpu.memref_squeeze %dma_start3A_232 : memref<1x4096xi32, #tpu.memory_space<hbm>> -> memref<4096xi32, #tpu.memory_space<hbm>>
      %dma_start3A_234 = tpu.memref_slice %arg3[%dma_start3A_231, %add3A_230] : memref<2x16777216xi32, #tpu.memory_space<hbm>> -> memref<1x4096xi32, #tpu.memory_space<hbm>>
      %dma_start3A_235 = tpu.memref_squeeze %dma_start3A_234 : memref<1x4096xi32, #tpu.memory_space<hbm>> -> memref<4096xi32, #tpu.memory_space<hbm>>
      tpu.enqueue_dma source(%dma_start3A_235 : memref<4096xi32, #tpu.memory_space<hbm>>) target(%arg7 : memref<4096xi32, #tpu.memory_space<vmem>>) target_semaphore(%arg22 : memref<!tpu.dma_semaphore, #tpu.memory_space<semaphore_mem>>)
      %dma_start3A_236 = arith.constant 1 : i32
      %dma_start3A_237 = tpu.memref_slice %arg3[%dma_start3A_236, %add3A_230] : memref<2x16777216xi32, #tpu.memory_space<hbm>> -> memref<1x4096xi32, #tpu.memory_space<hbm>>
      %dma_start3A_238 = tpu.memref_squeeze %dma_start3A_237 : memref<1x4096xi32, #tpu.memory_space<hbm>> -> memref<4096xi32, #tpu.memory_space<hbm>>
      %dma_start3A_239 = tpu.memref_slice %arg3[%dma_start3A_236, %add3A_230] : memref<2x16777216xi32, #tpu.memory_space<hbm>> -> memref<1x4096xi32, #tpu.memory_space<hbm>>
      %dma_start3A_240 = tpu.memref_squeeze %dma_start3A_239 : memref<1x4096xi32, #tpu.memory_space<hbm>> -> memref<4096xi32, #tpu.memory_space<hbm>>
      tpu.enqueue_dma source(%dma_start3A_240 : memref<4096xi32, #tpu.memory_space<hbm>>) target(%arg8 : memref<4096xi32, #tpu.memory_space<vmem>>) target_semaphore(%arg22 : memref<!tpu.dma_semaphore, #tpu.memory_space<semaphore_mem>>)
      %dma_start3A_241 = tpu.memref_slice %arg4[%add3A_230] : memref<16777216xi32, #tpu.memory_space<hbm>> -> memref<4096xi32, #tpu.memory_space<hbm>>
      %dma_start3A_242 = tpu.memref_slice %arg4[%add3A_230] : memref<16777216xi32, #tpu.memory_space<hbm>> -> memref<4096xi32, #tpu.memory_space<hbm>>
      tpu.enqueue_dma source(%dma_start3A_242 : memref<4096xi32, #tpu.memory_space<hbm>>) target(%arg9 : memref<4096xi32, #tpu.memory_space<vmem>>) target_semaphore(%arg22 : memref<!tpu.dma_semaphore, #tpu.memory_space<semaphore_mem>>)
      %mul3A_243 = arith.constant 3 : i32
      %mul3A_244 = arith.muli %scan3A_188, %mul3A_243 : i32
      %add3A_245 = arith.constant 1 : i32
      %add3A_246 = arith.addi %add3A_245, %mul3A_244 : i32
      %add3A_247 = arith.constant 1 : i32
      %add3A_248 = arith.addi %add3A_246, %add3A_247 : i32
      %dma_wait3A_249 = arith.constant 0 : i32
      %dma_wait3A_250 = tpu.memref_slice %arg20[%dma_wait3A_249] : memref<524288xf32, #tpu.memory_space<vmem_shared>> -> memref<524288xf32, #tpu.memory_space<vmem_shared>>
      tpu.wait_indirect_dma semaphore(%arg25 : memref<!tpu.dma_semaphore, #tpu.memory_space<semaphore_mem>>) src(%dma_wait3A_250 : memref<524288xf32, #tpu.memory_space<vmem_shared>>) dst(%arg18 : memref<4096xf32, #tpu.memory_space<vmem>>)
      %parallel_loop3A_251 = arith.constant 0 : i32
      %parallel_loop3A_252 = arith.constant 4096 : i32
      %parallel_loop3A_253 = arith.constant 16 : i32
      scf.for %parallel_loop3A_353 = %parallel_loop3A_251 to %parallel_loop3A_252 step %parallel_loop3A_253  : i32 {
        %parallel_loop3A_354 = arith.index_cast %parallel_loop3A_353 : i32 to index
        %parallel_loop3A_355 = tpu.vector_load %arg17[%parallel_loop3A_354] {strides = array<i32>} : memref<4096xi32, #tpu.memory_space<vmem>>, vector<16xi32>,
        %parallel_loop3A_356 = tpu.vector_load_idx %arg19[%parallel_loop3A_355] : memref<128xf32, #tpu.memory_space<vmem>>[vector<16xi32>], vector<16xf32>,
        %parallel_loop3A_357 = arith.index_cast %parallel_loop3A_353 : i32 to index
        %parallel_loop3A_358 = tpu.vector_load %arg18[%parallel_loop3A_357] {strides = array<i32>} : memref<4096xf32, #tpu.memory_space<vmem>>, vector<16xf32>,
        %parallel_loop3A_359 = arith.mulf %parallel_loop3A_358, %parallel_loop3A_356 : vector<16xf32>
        %parallel_loop3A_360 = arith.index_cast %parallel_loop3A_353 : i32 to index
        %parallel_loop3A_361 = tpu.vector_load %arg18[%parallel_loop3A_360] {strides = array<i32>} : memref<4096xf32, #tpu.memory_space<vmem>>, vector<16xf32>,
        tpu.vector_store %arg18[%parallel_loop3A_360], %parallel_loop3A_359 {strides = array<i32>} : memref<4096xf32, #tpu.memory_space<vmem>>, vector<16xf32>,
      } {sc.loop_unroll_factor = 4 : i64, sc.parallel_access}
      %dma_wait3A_254 = arith.constant 0 : i32
      %dma_wait3A_255 = tpu.memref_slice %arg21[%dma_wait3A_254] : memref<524288xf32, #tpu.memory_space<vmem_shared>> -> memref<524288xf32, #tpu.memory_space<vmem_shared>>
      tpu.wait_indirect_dma semaphore(%arg26 : memref<!tpu.dma_semaphore, #tpu.memory_space<semaphore_mem>>) src(%arg14 : memref<4096xf32, #tpu.memory_space<vmem>>) dst(%dma_wait3A_255 : memref<524288xf32, #tpu.memory_space<vmem_shared>>)
      %dma_start3A_256 = arith.constant 0 : i32
      %dma_start3A_257 = tpu.memref_slice %arg21[%dma_start3A_256] : memref<524288xf32, #tpu.memory_space<vmem_shared>> -> memref<524288xf32, #tpu.memory_space<vmem_shared>>
      tpu.enqueue_indirect_dma source(%arg18 : memref<4096xf32, #tpu.memory_space<vmem>>) target(%dma_start3A_257 : memref<524288xf32, #tpu.memory_space<vmem_shared>>) offsets(%arg16 : memref<4096xi32, #tpu.memory_space<vmem>>) semaphore(%arg26 : memref<!tpu.dma_semaphore, #tpu.memory_space<semaphore_mem>>) {add = true}
      %add3A_258 = arith.constant 1 : i32
      %add3A_259 = arith.addi %add3A_248, %add3A_258 : i32
      %min3A_260 = arith.constant 127 : i32
      %min3A_261 = arith.minsi %add3A_259, %min3A_260 : i32
      %mul3A_262 = arith.constant 4096 : i32
      %mul3A_263 = arith.muli %min3A_261, %mul3A_262 : i32
      %add3A_264 = arith.addi %mul3A_2, %mul3A_263 : i32
      %dma_wait3A_265 = arith.constant 0 : i32
      %dma_wait3A_266 = tpu.memref_slice %arg3[%dma_wait3A_265, %add3A_264] : memref<2x16777216xi32, #tpu.memory_space<hbm>> -> memref<1x4096xi32, #tpu.memory_space<hbm>>
      %dma_wait3A_267 = tpu.memref_squeeze %dma_wait3A_266 : memref<1x4096xi32, #tpu.memory_space<hbm>> -> memref<4096xi32, #tpu.memory_space<hbm>>
      %dma_wait3A_268 = tpu.memref_slice %arg3[%dma_wait3A_265, %add3A_264] : memref<2x16777216xi32, #tpu.memory_space<hbm>> -> memref<1x4096xi32, #tpu.memory_space<hbm>>
      %dma_wait3A_269 = tpu.memref_squeeze %dma_wait3A_268 : memref<1x4096xi32, #tpu.memory_space<hbm>> -> memref<4096xi32, #tpu.memory_space<hbm>>
      tpu.wait_dma2 semaphore(%arg22 : memref<!tpu.dma_semaphore, #tpu.memory_space<semaphore_mem>>) src(%dma_wait3A_269 : memref<4096xi32, #tpu.memory_space<hbm>>) dst(%arg7 : memref<4096xi32, #tpu.memory_space<vmem>>)
      %dma_wait3A_270 = arith.constant 1 : i32
      %dma_wait3A_271 = tpu.memref_slice %arg3[%dma_wait3A_270, %add3A_264] : memref<2x16777216xi32, #tpu.memory_space<hbm>> -> memref<1x4096xi32, #tpu.memory_space<hbm>>
      %dma_wait3A_272 = tpu.memref_squeeze %dma_wait3A_271 : memref<1x4096xi32, #tpu.memory_space<hbm>> -> memref<4096xi32, #tpu.memory_space<hbm>>
      %dma_wait3A_273 = tpu.memref_slice %arg3[%dma_wait3A_270, %add3A_264] : memref<2x16777216xi32, #tpu.memory_space<hbm>> -> memref<1x4096xi32, #tpu.memory_space<hbm>>
      %dma_wait3A_274 = tpu.memref_squeeze %dma_wait3A_273 : memref<1x4096xi32, #tpu.memory_space<hbm>> -> memref<4096xi32, #tpu.memory_space<hbm>>
      tpu.wait_dma2 semaphore(%arg22 : memref<!tpu.dma_semaphore, #tpu.memory_space<semaphore_mem>>) src(%dma_wait3A_274 : memref<4096xi32, #tpu.memory_space<hbm>>) dst(%arg8 : memref<4096xi32, #tpu.memory_space<vmem>>)
      %dma_wait3A_275 = tpu.memref_slice %arg4[%add3A_264] : memref<16777216xi32, #tpu.memory_space<hbm>> -> memref<4096xi32, #tpu.memory_space<hbm>>
      %dma_wait3A_276 = tpu.memref_slice %arg4[%add3A_264] : memref<16777216xi32, #tpu.memory_space<hbm>> -> memref<4096xi32, #tpu.memory_space<hbm>>
      tpu.wait_dma2 semaphore(%arg22 : memref<!tpu.dma_semaphore, #tpu.memory_space<semaphore_mem>>) src(%dma_wait3A_276 : memref<4096xi32, #tpu.memory_space<hbm>>) dst(%arg9 : memref<4096xi32, #tpu.memory_space<vmem>>)
      %dma_start3A_277 = arith.constant 0 : i32
      %dma_start3A_278 = tpu.memref_slice %arg20[%dma_start3A_277] : memref<524288xf32, #tpu.memory_space<vmem_shared>> -> memref<524288xf32, #tpu.memory_space<vmem_shared>>
      tpu.enqueue_indirect_dma source(%dma_start3A_278 : memref<524288xf32, #tpu.memory_space<vmem_shared>>) target(%arg10 : memref<4096xf32, #tpu.memory_space<vmem>>) offsets(%arg7 : memref<4096xi32, #tpu.memory_space<vmem>>) semaphore(%arg25 : memref<!tpu.dma_semaphore, #tpu.memory_space<semaphore_mem>>)
      %add3A_279 = arith.constant 2 : i32
      %add3A_280 = arith.addi %add3A_248, %add3A_279 : i32
      %min3A_281 = arith.constant 127 : i32
      %min3A_282 = arith.minsi %add3A_280, %min3A_281 : i32
      %mul3A_283 = arith.constant 4096 : i32
      %mul3A_284 = arith.muli %min3A_282, %mul3A_283 : i32
      %add3A_285 = arith.addi %mul3A_2, %mul3A_284 : i32
      %dma_start3A_286 = arith.constant 0 : i32
      %dma_start3A_287 = tpu.memref_slice %arg3[%dma_start3A_286, %add3A_285] : memref<2x16777216xi32, #tpu.memory_space<hbm>> -> memref<1x4096xi32, #tpu.memory_space<hbm>>
      %dma_start3A_288 = tpu.memref_squeeze %dma_start3A_287 : memref<1x4096xi32, #tpu.memory_space<hbm>> -> memref<4096xi32, #tpu.memory_space<hbm>>
      %dma_start3A_289 = tpu.memref_slice %arg3[%dma_start3A_286, %add3A_285] : memref<2x16777216xi32, #tpu.memory_space<hbm>> -> memref<1x4096xi32, #tpu.memory_space<hbm>>
      %dma_start3A_290 = tpu.memref_squeeze %dma_start3A_289 : memref<1x4096xi32, #tpu.memory_space<hbm>> -> memref<4096xi32, #tpu.memory_space<hbm>>
      tpu.enqueue_dma source(%dma_start3A_290 : memref<4096xi32, #tpu.memory_space<hbm>>) target(%arg11 : memref<4096xi32, #tpu.memory_space<vmem>>) target_semaphore(%arg23 : memref<!tpu.dma_semaphore, #tpu.memory_space<semaphore_mem>>)
      %dma_start3A_291 = arith.constant 1 : i32
      %dma_start3A_292 = tpu.memref_slice %arg3[%dma_start3A_291, %add3A_285] : memref<2x16777216xi32, #tpu.memory_space<hbm>> -> memref<1x4096xi32, #tpu.memory_space<hbm>>
      %dma_start3A_293 = tpu.memref_squeeze %dma_start3A_292 : memref<1x4096xi32, #tpu.memory_space<hbm>> -> memref<4096xi32, #tpu.memory_space<hbm>>
      %dma_start3A_294 = tpu.memref_slice %arg3[%dma_start3A_291, %add3A_285] : memref<2x16777216xi32, #tpu.memory_space<hbm>> -> memref<1x4096xi32, #tpu.memory_space<hbm>>
      %dma_start3A_295 = tpu.memref_squeeze %dma_start3A_294 : memref<1x4096xi32, #tpu.memory_space<hbm>> -> memref<4096xi32, #tpu.memory_space<hbm>>
      tpu.enqueue_dma source(%dma_start3A_295 : memref<4096xi32, #tpu.memory_space<hbm>>) target(%arg12 : memref<4096xi32, #tpu.memory_space<vmem>>) target_semaphore(%arg23 : memref<!tpu.dma_semaphore, #tpu.memory_space<semaphore_mem>>)
      %dma_start3A_296 = tpu.memref_slice %arg4[%add3A_285] : memref<16777216xi32, #tpu.memory_space<hbm>> -> memref<4096xi32, #tpu.memory_space<hbm>>
      %dma_start3A_297 = tpu.memref_slice %arg4[%add3A_285] : memref<16777216xi32, #tpu.memory_space<hbm>> -> memref<4096xi32, #tpu.memory_space<hbm>>
      tpu.enqueue_dma source(%dma_start3A_297 : memref<4096xi32, #tpu.memory_space<hbm>>) target(%arg13 : memref<4096xi32, #tpu.memory_space<vmem>>) target_semaphore(%arg23 : memref<!tpu.dma_semaphore, #tpu.memory_space<semaphore_mem>>)
      %mul3A_298 = arith.constant 3 : i32
      %mul3A_299 = arith.muli %scan3A_188, %mul3A_298 : i32
      %add3A_300 = arith.constant 1 : i32
      %add3A_301 = arith.addi %add3A_300, %mul3A_299 : i32
      %add3A_302 = arith.constant 2 : i32
      %add3A_303 = arith.addi %add3A_301, %add3A_302 : i32
      %dma_wait3A_304 = arith.constant 0 : i32
      %dma_wait3A_305 = tpu.memref_slice %arg20[%dma_wait3A_304] : memref<524288xf32, #tpu.memory_space<vmem_shared>> -> memref<524288xf32, #tpu.memory_space<vmem_shared>>
      tpu.wait_indirect_dma semaphore(%arg25 : memref<!tpu.dma_semaphore, #tpu.memory_space<semaphore_mem>>) src(%dma_wait3A_305 : memref<524288xf32, #tpu.memory_space<vmem_shared>>) dst(%arg10 : memref<4096xf32, #tpu.memory_space<vmem>>)
      %parallel_loop3A_306 = arith.constant 0 : i32
      %parallel_loop3A_307 = arith.constant 4096 : i32
      %parallel_loop3A_308 = arith.constant 16 : i32
      scf.for %parallel_loop3A_353 = %parallel_loop3A_306 to %parallel_loop3A_307 step %parallel_loop3A_308  : i32 {
        %parallel_loop3A_354 = arith.index_cast %parallel_loop3A_353 : i32 to index
        %parallel_loop3A_355 = tpu.vector_load %arg9[%parallel_loop3A_354] {strides = array<i32>} : memref<4096xi32, #tpu.memory_space<vmem>>, vector<16xi32>,
        %parallel_loop3A_356 = tpu.vector_load_idx %arg19[%parallel_loop3A_355] : memref<128xf32, #tpu.memory_space<vmem>>[vector<16xi32>], vector<16xf32>,
        %parallel_loop3A_357 = arith.index_cast %parallel_loop3A_353 : i32 to index
        %parallel_loop3A_358 = tpu.vector_load %arg10[%parallel_loop3A_357] {strides = array<i32>} : memref<4096xf32, #tpu.memory_space<vmem>>, vector<16xf32>,
        %parallel_loop3A_359 = arith.mulf %parallel_loop3A_358, %parallel_loop3A_356 : vector<16xf32>
        %parallel_loop3A_360 = arith.index_cast %parallel_loop3A_353 : i32 to index
        %parallel_loop3A_361 = tpu.vector_load %arg10[%parallel_loop3A_360] {strides = array<i32>} : memref<4096xf32, #tpu.memory_space<vmem>>, vector<16xf32>,
        tpu.vector_store %arg10[%parallel_loop3A_360], %parallel_loop3A_359 {strides = array<i32>} : memref<4096xf32, #tpu.memory_space<vmem>>, vector<16xf32>,
      } {sc.loop_unroll_factor = 4 : i64, sc.parallel_access}
      %dma_wait3A_309 = arith.constant 0 : i32
      %dma_wait3A_310 = tpu.memref_slice %arg21[%dma_wait3A_309] : memref<524288xf32, #tpu.memory_space<vmem_shared>> -> memref<524288xf32, #tpu.memory_space<vmem_shared>>
      tpu.wait_indirect_dma semaphore(%arg26 : memref<!tpu.dma_semaphore, #tpu.memory_space<semaphore_mem>>) src(%arg18 : memref<4096xf32, #tpu.memory_space<vmem>>) dst(%dma_wait3A_310 : memref<524288xf32, #tpu.memory_space<vmem_shared>>)
      %dma_start3A_311 = arith.constant 0 : i32
      %dma_start3A_312 = tpu.memref_slice %arg21[%dma_start3A_311] : memref<524288xf32, #tpu.memory_space<vmem_shared>> -> memref<524288xf32, #tpu.memory_space<vmem_shared>>
      tpu.enqueue_indirect_dma source(%arg10 : memref<4096xf32, #tpu.memory_space<vmem>>) target(%dma_start3A_312 : memref<524288xf32, #tpu.memory_space<vmem_shared>>) offsets(%arg8 : memref<4096xi32, #tpu.memory_space<vmem>>) semaphore(%arg26 : memref<!tpu.dma_semaphore, #tpu.memory_space<semaphore_mem>>) {add = true}
      %add3A_313 = arith.constant 1 : i32
      %add3A_314 = arith.addi %add3A_303, %add3A_313 : i32
      %min3A_315 = arith.constant 127 : i32
      %min3A_316 = arith.minsi %add3A_314, %min3A_315 : i32
      %mul3A_317 = arith.constant 4096 : i32
      %mul3A_318 = arith.muli %min3A_316, %mul3A_317 : i32
      %add3A_319 = arith.addi %mul3A_2, %mul3A_318 : i32
      %dma_wait3A_320 = arith.constant 0 : i32
      %dma_wait3A_321 = tpu.memref_slice %arg3[%dma_wait3A_320, %add3A_319] : memref<2x16777216xi32, #tpu.memory_space<hbm>> -> memref<1x4096xi32, #tpu.memory_space<hbm>>
      %dma_wait3A_322 = tpu.memref_squeeze %dma_wait3A_321 : memref<1x4096xi32, #tpu.memory_space<hbm>> -> memref<4096xi32, #tpu.memory_space<hbm>>
      %dma_wait3A_323 = tpu.memref_slice %arg3[%dma_wait3A_320, %add3A_319] : memref<2x16777216xi32, #tpu.memory_space<hbm>> -> memref<1x4096xi32, #tpu.memory_space<hbm>>
      %dma_wait3A_324 = tpu.memref_squeeze %dma_wait3A_323 : memref<1x4096xi32, #tpu.memory_space<hbm>> -> memref<4096xi32, #tpu.memory_space<hbm>>
      tpu.wait_dma2 semaphore(%arg23 : memref<!tpu.dma_semaphore, #tpu.memory_space<semaphore_mem>>) src(%dma_wait3A_324 : memref<4096xi32, #tpu.memory_space<hbm>>) dst(%arg11 : memref<4096xi32, #tpu.memory_space<vmem>>)
      %dma_wait3A_325 = arith.constant 1 : i32
      %dma_wait3A_326 = tpu.memref_slice %arg3[%dma_wait3A_325, %add3A_319] : memref<2x16777216xi32, #tpu.memory_space<hbm>> -> memref<1x4096xi32, #tpu.memory_space<hbm>>
      %dma_wait3A_327 = tpu.memref_squeeze %dma_wait3A_326 : memref<1x4096xi32, #tpu.memory_space<hbm>> -> memref<4096xi32, #tpu.memory_space<hbm>>
      %dma_wait3A_328 = tpu.memref_slice %arg3[%dma_wait3A_325, %add3A_319] : memref<2x16777216xi32, #tpu.memory_space<hbm>> -> memref<1x4096xi32, #tpu.memory_space<hbm>>
      %dma_wait3A_329 = tpu.memref_squeeze %dma_wait3A_328 : memref<1x4096xi32, #tpu.memory_space<hbm>> -> memref<4096xi32, #tpu.memory_space<hbm>>
      tpu.wait_dma2 semaphore(%arg23 : memref<!tpu.dma_semaphore, #tpu.memory_space<semaphore_mem>>) src(%dma_wait3A_329 : memref<4096xi32, #tpu.memory_space<hbm>>) dst(%arg12 : memref<4096xi32, #tpu.memory_space<vmem>>)
      %dma_wait3A_330 = tpu.memref_slice %arg4[%add3A_319] : memref<16777216xi32, #tpu.memory_space<hbm>> -> memref<4096xi32, #tpu.memory_space<hbm>>
      %dma_wait3A_331 = tpu.memref_slice %arg4[%add3A_319] : memref<16777216xi32, #tpu.memory_space<hbm>> -> memref<4096xi32, #tpu.memory_space<hbm>>
      tpu.wait_dma2 semaphore(%arg23 : memref<!tpu.dma_semaphore, #tpu.memory_space<semaphore_mem>>) src(%dma_wait3A_331 : memref<4096xi32, #tpu.memory_space<hbm>>) dst(%arg13 : memref<4096xi32, #tpu.memory_space<vmem>>)
      %dma_start3A_332 = arith.constant 0 : i32
      %dma_start3A_333 = tpu.memref_slice %arg20[%dma_start3A_332] : memref<524288xf32, #tpu.memory_space<vmem_shared>> -> memref<524288xf32, #tpu.memory_space<vmem_shared>>
      tpu.enqueue_indirect_dma source(%dma_start3A_333 : memref<524288xf32, #tpu.memory_space<vmem_shared>>) target(%arg14 : memref<4096xf32, #tpu.memory_space<vmem>>) offsets(%arg11 : memref<4096xi32, #tpu.memory_space<vmem>>) semaphore(%arg25 : memref<!tpu.dma_semaphore, #tpu.memory_space<semaphore_mem>>)
      %add3A_334 = arith.constant 2 : i32
      %add3A_335 = arith.addi %add3A_303, %add3A_334 : i32
      %min3A_336 = arith.constant 127 : i32
      %min3A_337 = arith.minsi %add3A_335, %min3A_336 : i32
      %mul3A_338 = arith.constant 4096 : i32
      %mul3A_339 = arith.muli %min3A_337, %mul3A_338 : i32
      %add3A_340 = arith.addi %mul3A_2, %mul3A_339 : i32
      %dma_start3A_341 = arith.constant 0 : i32
      %dma_start3A_342 = tpu.memref_slice %arg3[%dma_start3A_341, %add3A_340] : memref<2x16777216xi32, #tpu.memory_space<hbm>> -> memref<1x4096xi32, #tpu.memory_space<hbm>>
      %dma_start3A_343 = tpu.memref_squeeze %dma_start3A_342 : memref<1x4096xi32, #tpu.memory_space<hbm>> -> memref<4096xi32, #tpu.memory_space<hbm>>
      %dma_start3A_344 = tpu.memref_slice %arg3[%dma_start3A_341, %add3A_340] : memref<2x16777216xi32, #tpu.memory_space<hbm>> -> memref<1x4096xi32, #tpu.memory_space<hbm>>
      %dma_start3A_345 = tpu.memref_squeeze %dma_start3A_344 : memref<1x4096xi32, #tpu.memory_space<hbm>> -> memref<4096xi32, #tpu.memory_space<hbm>>
      tpu.enqueue_dma source(%dma_start3A_345 : memref<4096xi32, #tpu.memory_space<hbm>>) target(%arg15 : memref<4096xi32, #tpu.memory_space<vmem>>) target_semaphore(%arg24 : memref<!tpu.dma_semaphore, #tpu.memory_space<semaphore_mem>>)
      %dma_start3A_346 = arith.constant 1 : i32
      %dma_start3A_347 = tpu.memref_slice %arg3[%dma_start3A_346, %add3A_340] : memref<2x16777216xi32, #tpu.memory_space<hbm>> -> memref<1x4096xi32, #tpu.memory_space<hbm>>
      %dma_start3A_348 = tpu.memref_squeeze %dma_start3A_347 : memref<1x4096xi32, #tpu.memory_space<hbm>> -> memref<4096xi32, #tpu.memory_space<hbm>>
      %dma_start3A_349 = tpu.memref_slice %arg3[%dma_start3A_346, %add3A_340] : memref<2x16777216xi32, #tpu.memory_space<hbm>> -> memref<1x4096xi32, #tpu.memory_space<hbm>>
      %dma_start3A_350 = tpu.memref_squeeze %dma_start3A_349 : memref<1x4096xi32, #tpu.memory_space<hbm>> -> memref<4096xi32, #tpu.memory_space<hbm>>
      tpu.enqueue_dma source(%dma_start3A_350 : memref<4096xi32, #tpu.memory_space<hbm>>) target(%arg16 : memref<4096xi32, #tpu.memory_space<vmem>>) target_semaphore(%arg24 : memref<!tpu.dma_semaphore, #tpu.memory_space<semaphore_mem>>)
      %dma_start3A_351 = tpu.memref_slice %arg4[%add3A_340] : memref<16777216xi32, #tpu.memory_space<hbm>> -> memref<4096xi32, #tpu.memory_space<hbm>>
      %dma_start3A_352 = tpu.memref_slice %arg4[%add3A_340] : memref<16777216xi32, #tpu.memory_space<hbm>> -> memref<4096xi32, #tpu.memory_space<hbm>>
      tpu.enqueue_dma source(%dma_start3A_352 : memref<4096xi32, #tpu.memory_space<hbm>>) target(%arg17 : memref<4096xi32, #tpu.memory_space<vmem>>) target_semaphore(%arg24 : memref<!tpu.dma_semaphore, #tpu.memory_space<semaphore_mem>>)
    }
    %scan3A_127 = arith.constant 42 : i32
    %dma_wait3A_128 = arith.constant 0 : i32
    %dma_wait3A_129 = tpu.memref_slice %arg20[%dma_wait3A_128] : memref<524288xf32, #tpu.memory_space<vmem_shared>> -> memref<524288xf32, #tpu.memory_space<vmem_shared>>
    tpu.wait_indirect_dma semaphore(%arg25 : memref<!tpu.dma_semaphore, #tpu.memory_space<semaphore_mem>>) src(%dma_wait3A_129 : memref<524288xf32, #tpu.memory_space<vmem_shared>>) dst(%arg14 : memref<4096xf32, #tpu.memory_space<vmem>>)
    %parallel_loop3A_130 = arith.constant 0 : i32
    %parallel_loop3A_131 = arith.constant 4096 : i32
    %parallel_loop3A_132 = arith.constant 16 : i32
    scf.for %parallel_loop3A_188 = %parallel_loop3A_130 to %parallel_loop3A_131 step %parallel_loop3A_132  : i32 {
      %parallel_loop3A_189 = arith.index_cast %parallel_loop3A_188 : i32 to index
      %parallel_loop3A_190 = tpu.vector_load %arg13[%parallel_loop3A_189] {strides = array<i32>} : memref<4096xi32, #tpu.memory_space<vmem>>, vector<16xi32>,
      %parallel_loop3A_191 = tpu.vector_load_idx %arg19[%parallel_loop3A_190] : memref<128xf32, #tpu.memory_space<vmem>>[vector<16xi32>], vector<16xf32>,
      %parallel_loop3A_192 = arith.index_cast %parallel_loop3A_188 : i32 to index
      %parallel_loop3A_193 = tpu.vector_load %arg14[%parallel_loop3A_192] {strides = array<i32>} : memref<4096xf32, #tpu.memory_space<vmem>>, vector<16xf32>,
      %parallel_loop3A_194 = arith.mulf %parallel_loop3A_193, %parallel_loop3A_191 : vector<16xf32>
      %parallel_loop3A_195 = arith.index_cast %parallel_loop3A_188 : i32 to index
      %parallel_loop3A_196 = tpu.vector_load %arg14[%parallel_loop3A_195] {strides = array<i32>} : memref<4096xf32, #tpu.memory_space<vmem>>, vector<16xf32>,
      tpu.vector_store %arg14[%parallel_loop3A_195], %parallel_loop3A_194 {strides = array<i32>} : memref<4096xf32, #tpu.memory_space<vmem>>, vector<16xf32>,
    } {sc.loop_unroll_factor = 4 : i64, sc.parallel_access}
    %dma_wait3A_133 = arith.constant 0 : i32
    %dma_wait3A_134 = tpu.memref_slice %arg21[%dma_wait3A_133] : memref<524288xf32, #tpu.memory_space<vmem_shared>> -> memref<524288xf32, #tpu.memory_space<vmem_shared>>
    tpu.wait_indirect_dma semaphore(%arg26 : memref<!tpu.dma_semaphore, #tpu.memory_space<semaphore_mem>>) src(%arg10 : memref<4096xf32, #tpu.memory_space<vmem>>) dst(%dma_wait3A_134 : memref<524288xf32, #tpu.memory_space<vmem_shared>>)
    %dma_start3A_135 = arith.constant 0 : i32
    %dma_start3A_136 = tpu.memref_slice %arg21[%dma_start3A_135] : memref<524288xf32, #tpu.memory_space<vmem_shared>> -> memref<524288xf32, #tpu.memory_space<vmem_shared>>
    tpu.enqueue_indirect_dma source(%arg14 : memref<4096xf32, #tpu.memory_space<vmem>>) target(%dma_start3A_136 : memref<524288xf32, #tpu.memory_space<vmem_shared>>) offsets(%arg12 : memref<4096xi32, #tpu.memory_space<vmem>>) semaphore(%arg26 : memref<!tpu.dma_semaphore, #tpu.memory_space<semaphore_mem>>) {add = true}
    %add3A_137 = arith.constant 520192 : i32
    %add3A_138 = arith.addi %mul3A_2, %add3A_137 : i32
    %dma_wait3A_139 = arith.constant 0 : i32
    %dma_wait3A_140 = tpu.memref_slice %arg3[%dma_wait3A_139, %add3A_138] : memref<2x16777216xi32, #tpu.memory_space<hbm>> -> memref<1x4096xi32, #tpu.memory_space<hbm>>
    %dma_wait3A_141 = tpu.memref_squeeze %dma_wait3A_140 : memref<1x4096xi32, #tpu.memory_space<hbm>> -> memref<4096xi32, #tpu.memory_space<hbm>>
    %dma_wait3A_142 = tpu.memref_slice %arg3[%dma_wait3A_139, %add3A_138] : memref<2x16777216xi32, #tpu.memory_space<hbm>> -> memref<1x4096xi32, #tpu.memory_space<hbm>>
    %dma_wait3A_143 = tpu.memref_squeeze %dma_wait3A_142 : memref<1x4096xi32, #tpu.memory_space<hbm>> -> memref<4096xi32, #tpu.memory_space<hbm>>
    tpu.wait_dma2 semaphore(%arg24 : memref<!tpu.dma_semaphore, #tpu.memory_space<semaphore_mem>>) src(%dma_wait3A_143 : memref<4096xi32, #tpu.memory_space<hbm>>) dst(%arg15 : memref<4096xi32, #tpu.memory_space<vmem>>)
    %dma_wait3A_144 = arith.constant 1 : i32
    %dma_wait3A_145 = tpu.memref_slice %arg3[%dma_wait3A_144, %add3A_138] : memref<2x16777216xi32, #tpu.memory_space<hbm>> -> memref<1x4096xi32, #tpu.memory_space<hbm>>
    %dma_wait3A_146 = tpu.memref_squeeze %dma_wait3A_145 : memref<1x4096xi32, #tpu.memory_space<hbm>> -> memref<4096xi32, #tpu.memory_space<hbm>>
    %dma_wait3A_147 = tpu.memref_slice %arg3[%dma_wait3A_144, %add3A_138] : memref<2x16777216xi32, #tpu.memory_space<hbm>> -> memref<1x4096xi32, #tpu.memory_space<hbm>>
    %dma_wait3A_148 = tpu.memref_squeeze %dma_wait3A_147 : memref<1x4096xi32, #tpu.memory_space<hbm>> -> memref<4096xi32, #tpu.memory_space<hbm>>
    tpu.wait_dma2 semaphore(%arg24 : memref<!tpu.dma_semaphore, #tpu.memory_space<semaphore_mem>>) src(%dma_wait3A_148 : memref<4096xi32, #tpu.memory_space<hbm>>) dst(%arg16 : memref<4096xi32, #tpu.memory_space<vmem>>)
    %dma_wait3A_149 = tpu.memref_slice %arg4[%add3A_138] : memref<16777216xi32, #tpu.memory_space<hbm>> -> memref<4096xi32, #tpu.memory_space<hbm>>
    %dma_wait3A_150 = tpu.memref_slice %arg4[%add3A_138] : memref<16777216xi32, #tpu.memory_space<hbm>> -> memref<4096xi32, #tpu.memory_space<hbm>>
    tpu.wait_dma2 semaphore(%arg24 : memref<!tpu.dma_semaphore, #tpu.memory_space<semaphore_mem>>) src(%dma_wait3A_150 : memref<4096xi32, #tpu.memory_space<hbm>>) dst(%arg17 : memref<4096xi32, #tpu.memory_space<vmem>>)
    %dma_start3A_151 = arith.constant 0 : i32
    %dma_start3A_152 = tpu.memref_slice %arg20[%dma_start3A_151] : memref<524288xf32, #tpu.memory_space<vmem_shared>> -> memref<524288xf32, #tpu.memory_space<vmem_shared>>
    tpu.enqueue_indirect_dma source(%dma_start3A_152 : memref<524288xf32, #tpu.memory_space<vmem_shared>>) target(%arg18 : memref<4096xf32, #tpu.memory_space<vmem>>) offsets(%arg15 : memref<4096xi32, #tpu.memory_space<vmem>>) semaphore(%arg25 : memref<!tpu.dma_semaphore, #tpu.memory_space<semaphore_mem>>)
    %add3A_153 = arith.constant 520192 : i32
    %add3A_154 = arith.addi %mul3A_2, %add3A_153 : i32
    %dma_start3A_155 = arith.constant 0 : i32
    %dma_start3A_156 = tpu.memref_slice %arg3[%dma_start3A_155, %add3A_154] : memref<2x16777216xi32, #tpu.memory_space<hbm>> -> memref<1x4096xi32, #tpu.memory_space<hbm>>
    %dma_start3A_157 = tpu.memref_squeeze %dma_start3A_156 : memref<1x4096xi32, #tpu.memory_space<hbm>> -> memref<4096xi32, #tpu.memory_space<hbm>>
    %dma_start3A_158 = tpu.memref_slice %arg3[%dma_start3A_155, %add3A_154] : memref<2x16777216xi32, #tpu.memory_space<hbm>> -> memref<1x4096xi32, #tpu.memory_space<hbm>>
    %dma_start3A_159 = tpu.memref_squeeze %dma_start3A_158 : memref<1x4096xi32, #tpu.memory_space<hbm>> -> memref<4096xi32, #tpu.memory_space<hbm>>
    tpu.enqueue_dma source(%dma_start3A_159 : memref<4096xi32, #tpu.memory_space<hbm>>) target(%arg7 : memref<4096xi32, #tpu.memory_space<vmem>>) target_semaphore(%arg22 : memref<!tpu.dma_semaphore, #tpu.memory_space<semaphore_mem>>)
    %dma_start3A_160 = arith.constant 1 : i32
    %dma_start3A_161 = tpu.memref_slice %arg3[%dma_start3A_160, %add3A_154] : memref<2x16777216xi32, #tpu.memory_space<hbm>> -> memref<1x4096xi32, #tpu.memory_space<hbm>>
    %dma_start3A_162 = tpu.memref_squeeze %dma_start3A_161 : memref<1x4096xi32, #tpu.memory_space<hbm>> -> memref<4096xi32, #tpu.memory_space<hbm>>
    %dma_start3A_163 = tpu.memref_slice %arg3[%dma_start3A_160, %add3A_154] : memref<2x16777216xi32, #tpu.memory_space<hbm>> -> memref<1x4096xi32, #tpu.memory_space<hbm>>
    %dma_start3A_164 = tpu.memref_squeeze %dma_start3A_163 : memref<1x4096xi32, #tpu.memory_space<hbm>> -> memref<4096xi32, #tpu.memory_space<hbm>>
    tpu.enqueue_dma source(%dma_start3A_164 : memref<4096xi32, #tpu.memory_space<hbm>>) target(%arg8 : memref<4096xi32, #tpu.memory_space<vmem>>) target_semaphore(%arg22 : memref<!tpu.dma_semaphore, #tpu.memory_space<semaphore_mem>>)
    %dma_start3A_165 = tpu.memref_slice %arg4[%add3A_154] : memref<16777216xi32, #tpu.memory_space<hbm>> -> memref<4096xi32, #tpu.memory_space<hbm>>
    %dma_start3A_166 = tpu.memref_slice %arg4[%add3A_154] : memref<16777216xi32, #tpu.memory_space<hbm>> -> memref<4096xi32, #tpu.memory_space<hbm>>
    tpu.enqueue_dma source(%dma_start3A_166 : memref<4096xi32, #tpu.memory_space<hbm>>) target(%arg9 : memref<4096xi32, #tpu.memory_space<vmem>>) target_semaphore(%arg22 : memref<!tpu.dma_semaphore, #tpu.memory_space<semaphore_mem>>)
    %dma_wait3A_167 = arith.constant 0 : i32
    %dma_wait3A_168 = tpu.memref_slice %arg21[%dma_wait3A_167] : memref<524288xf32, #tpu.memory_space<vmem_shared>> -> memref<524288xf32, #tpu.memory_space<vmem_shared>>
    tpu.wait_indirect_dma semaphore(%arg26 : memref<!tpu.dma_semaphore, #tpu.memory_space<semaphore_mem>>) src(%arg14 : memref<4096xf32, #tpu.memory_space<vmem>>) dst(%dma_wait3A_168 : memref<524288xf32, #tpu.memory_space<vmem_shared>>)
    %dma_wait3A_169 = arith.constant 0 : i32
    %dma_wait3A_170 = tpu.memref_slice %arg20[%dma_wait3A_169] : memref<524288xf32, #tpu.memory_space<vmem_shared>> -> memref<524288xf32, #tpu.memory_space<vmem_shared>>
    tpu.wait_indirect_dma semaphore(%arg25 : memref<!tpu.dma_semaphore, #tpu.memory_space<semaphore_mem>>) src(%dma_wait3A_170 : memref<524288xf32, #tpu.memory_space<vmem_shared>>) dst(%arg18 : memref<4096xf32, #tpu.memory_space<vmem>>)
    %add3A_171 = arith.constant 520192 : i32
    %add3A_172 = arith.addi %mul3A_2, %add3A_171 : i32
    %dma_wait3A_173 = arith.constant 0 : i32
    %dma_wait3A_174 = tpu.memref_slice %arg3[%dma_wait3A_173, %add3A_172] : memref<2x16777216xi32, #tpu.memory_space<hbm>> -> memref<1x4096xi32, #tpu.memory_space<hbm>>
    %dma_wait3A_175 = tpu.memref_squeeze %dma_wait3A_174 : memref<1x4096xi32, #tpu.memory_space<hbm>> -> memref<4096xi32, #tpu.memory_space<hbm>>
    %dma_wait3A_176 = tpu.memref_slice %arg3[%dma_wait3A_173, %add3A_172] : memref<2x16777216xi32, #tpu.memory_space<hbm>> -> memref<1x4096xi32, #tpu.memory_space<hbm>>
    %dma_wait3A_177 = tpu.memref_squeeze %dma_wait3A_176 : memref<1x4096xi32, #tpu.memory_space<hbm>> -> memref<4096xi32, #tpu.memory_space<hbm>>
    tpu.wait_dma2 semaphore(%arg22 : memref<!tpu.dma_semaphore, #tpu.memory_space<semaphore_mem>>) src(%dma_wait3A_177 : memref<4096xi32, #tpu.memory_space<hbm>>) dst(%arg7 : memref<4096xi32, #tpu.memory_space<vmem>>)
    %dma_wait3A_178 = arith.constant 1 : i32
    %dma_wait3A_179 = tpu.memref_slice %arg3[%dma_wait3A_178, %add3A_172] : memref<2x16777216xi32, #tpu.memory_space<hbm>> -> memref<1x4096xi32, #tpu.memory_space<hbm>>
    %dma_wait3A_180 = tpu.memref_squeeze %dma_wait3A_179 : memref<1x4096xi32, #tpu.memory_space<hbm>> -> memref<4096xi32, #tpu.memory_space<hbm>>
    %dma_wait3A_181 = tpu.memref_slice %arg3[%dma_wait3A_178, %add3A_172] : memref<2x16777216xi32, #tpu.memory_space<hbm>> -> memref<1x4096xi32, #tpu.memory_space<hbm>>
    %dma_wait3A_182 = tpu.memref_squeeze %dma_wait3A_181 : memref<1x4096xi32, #tpu.memory_space<hbm>> -> memref<4096xi32, #tpu.memory_space<hbm>>
    tpu.wait_dma2 semaphore(%arg22 : memref<!tpu.dma_semaphore, #tpu.memory_space<semaphore_mem>>) src(%dma_wait3A_182 : memref<4096xi32, #tpu.memory_space<hbm>>) dst(%arg8 : memref<4096xi32, #tpu.memory_space<vmem>>)
    %dma_wait3A_183 = tpu.memref_slice %arg4[%add3A_172] : memref<16777216xi32, #tpu.memory_space<hbm>> -> memref<4096xi32, #tpu.memory_space<hbm>>
    %dma_wait3A_184 = tpu.memref_slice %arg4[%add3A_172] : memref<16777216xi32, #tpu.memory_space<hbm>> -> memref<4096xi32, #tpu.memory_space<hbm>>
    tpu.wait_dma2 semaphore(%arg22 : memref<!tpu.dma_semaphore, #tpu.memory_space<semaphore_mem>>) src(%dma_wait3A_184 : memref<4096xi32, #tpu.memory_space<hbm>>) dst(%arg9 : memref<4096xi32, #tpu.memory_space<vmem>>)
    %barrier3A_185 = arith.constant 0 : index
    tpu.barrier barrier_id(%barrier3A_185)
    %mul3A_186 = arith.constant 32768 : i32
    %mul3A_187 = arith.muli %arg1, %mul3A_186 : i32
    "tpu.region"() ({
      %run_scoped3A = tpu.sem_alloc : memref<!tpu.dma_semaphore, #tpu.memory_space<semaphore_mem>>
      %dma_start3A_188 = arith.constant 0 : i32
      %dma_start3A_189 = tpu.memref_slice %arg6[%arg0, %arg1, %dma_start3A_188] : memref<2x16x32768xf32, #tpu.memory_space<hbm>> -> memref<1x1x32768xf32, #tpu.memory_space<hbm>>
      %dma_start3A_190 = tpu.memref_squeeze %dma_start3A_189 : memref<1x1x32768xf32, #tpu.memory_space<hbm>> -> memref<32768xf32, #tpu.memory_space<hbm>>
      %dma_start3A_191 = tpu.memref_slice %arg21[%mul3A_187] : memref<524288xf32, #tpu.memory_space<vmem_shared>> -> memref<32768xf32, #tpu.memory_space<vmem_shared>>
      tpu.enqueue_dma source(%dma_start3A_191 : memref<32768xf32, #tpu.memory_space<vmem_shared>>) target(%dma_start3A_190 : memref<32768xf32, #tpu.memory_space<hbm>>) target_semaphore(%run_scoped3A : memref<!tpu.dma_semaphore, #tpu.memory_space<semaphore_mem>>)
      %dma_wait3A_192 = arith.constant 0 : i32
      %dma_wait3A_193 = tpu.memref_slice %arg6[%arg0, %arg1, %dma_wait3A_192] : memref<2x16x32768xf32, #tpu.memory_space<hbm>> -> memref<1x1x32768xf32, #tpu.memory_space<hbm>>
      %dma_wait3A_194 = tpu.memref_squeeze %dma_wait3A_193 : memref<1x1x32768xf32, #tpu.memory_space<hbm>> -> memref<32768xf32, #tpu.memory_space<hbm>>
      %dma_wait3A_195 = tpu.memref_slice %arg21[%mul3A_187] : memref<524288xf32, #tpu.memory_space<vmem_shared>> -> memref<32768xf32, #tpu.memory_space<vmem_shared>>
      tpu.wait_dma2 semaphore(%run_scoped3A : memref<!tpu.dma_semaphore, #tpu.memory_space<semaphore_mem>>) src(%dma_wait3A_195 : memref<32768xf32, #tpu.memory_space<vmem_shared>>) dst(%dma_wait3A_194 : memref<32768xf32, #tpu.memory_space<hbm>>)
      tpu.yield
    }) : () -> ()
    return
  }
}

module attributes {stable_mosaic.version = 14 : i64} {
  func.func @_dense_kernel(%arg0: memref<4096x128xf32, #tpu.memory_space<vmem>>, %arg1: memref<2x4096x128xf32, #tpu.memory_space<vmem>>, %arg2: memref<1x4096xi32, #tpu.memory_space<vmem>>, %arg3: memref<4096x1xi32, #tpu.memory_space<vmem>>, %arg4: memref<1x4096xi32, #tpu.memory_space<vmem>>, %arg5: memref<1x1xf32, #tpu.memory_space<smem>>, %arg6: memref<1x1xf32, #tpu.memory_space<smem>>, %arg7: memref<4096x1024xf32, #tpu.memory_space<vmem>>, %arg8: memref<1x1024xf32, #tpu.memory_space<vmem>>, %arg9: memref<1024x1024xf32, #tpu.memory_space<vmem>>, %arg10: memref<1x1024xf32, #tpu.memory_space<vmem>>, %arg11: memref<1024x1024xf32, #tpu.memory_space<vmem>>, %arg12: memref<1x1024xf32, #tpu.memory_space<vmem>>, %arg13: memref<128x1024xf32, #tpu.memory_space<vmem>>) attributes {dimension_semantics = [], scalar_prefetch = 0 : i64, scratch_operands = 0 : i64, tpu.core_type = #tpu.core_type<tc>} {
    %get3A = arith.constant 0 : index
    %get3A_0 = arith.constant 0 : index
    %get3A_1 = memref.load %arg5[%get3A, %get3A_0] : memref<1x1xf32, #tpu.memory_space<smem>>
    %get3A_2 = arith.constant 0 : index
    %get3A_3 = arith.constant 0 : index
    %get3A_4 = memref.load %arg6[%get3A_2, %get3A_3] : memref<1x1xf32, #tpu.memory_space<smem>>
    %get3A_5 = arith.constant 0 : index
    %get3A_6 = arith.constant 0 : index
    %get3A_7 = arith.constant 0 : index
    %get3A_8 = vector.load %arg1[%get3A_5, %get3A_6, %get3A_7] : memref<2x4096x128xf32, #tpu.memory_space<vmem>>, vector<1x4096x128xf32>
    %get3A_9 = vector.shape_cast %get3A_8 : vector<1x4096x128xf32> to vector<4096x128xf32>
    %get3A_10 = arith.constant 1 : index
    %get3A_11 = arith.constant 0 : index
    %get3A_12 = arith.constant 0 : index
    %get3A_13 = vector.load %arg1[%get3A_10, %get3A_11, %get3A_12] : memref<2x4096x128xf32, #tpu.memory_space<vmem>>, vector<1x4096x128xf32>
    %get3A_14 = vector.shape_cast %get3A_13 : vector<1x4096x128xf32> to vector<4096x128xf32>
    %add3A = arith.addf %get3A_9, %get3A_14 : vector<4096x128xf32>
    %get3A_15 = arith.constant 0 : index
    %get3A_16 = arith.constant 0 : index
    %get3A_17 = vector.load %arg0[%get3A_15, %get3A_16] : memref<4096x128xf32, #tpu.memory_space<vmem>>, vector<4096x128xf32>
    %mul3A = vector.broadcast %get3A_1 : f32 to vector<4096x128xf32>
    %mul3A_18 = arith.mulf %get3A_17, %mul3A : vector<4096x128xf32>
    %add3A_19 = arith.addf %add3A, %mul3A_18 : vector<4096x128xf32>
    %add3A_20 = vector.broadcast %get3A_4 : f32 to vector<4096x128xf32>
    %add3A_21 = arith.addf %add3A_19, %add3A_20 : vector<4096x128xf32>
    %transpose3A = tpu.transpose %add3A_21, [1, 0] : vector<4096x128xf32> -> vector<128x4096xf32>
    %get3A_22 = arith.constant 0 : index
    %get3A_23 = arith.constant 0 : index
    %get3A_24 = vector.load %arg7[%get3A_22, %get3A_23] : memref<4096x1024xf32, #tpu.memory_space<vmem>>, vector<4096x1024xf32>
    %dot_general3A = arith.constant dense<0.000000e+00> : vector<128x1024xf32>
    %dot_general3A_25 = tpu.matmul %transpose3A, %get3A_24, %dot_general3A {dimension_numbers = #tpu.dot_dimension_numbers<[1], [0], [0], [1], [0, 0, 1, 1], [], []>, transpose_lhs_hint = false} : vector<128x4096xf32>, vector<4096x1024xf32>, vector<128x1024xf32> -> vector<128x1024xf32>
    %get3A_26 = arith.constant 0 : index
    %get3A_27 = arith.constant 0 : index
    %get3A_28 = vector.load %arg8[%get3A_26, %get3A_27] : memref<1x1024xf32, #tpu.memory_space<vmem>>, vector<1x1024xf32>
    %add3A_29 = vector.broadcast %get3A_28 : vector<1x1024xf32> to vector<128x1024xf32>
    %add3A_30 = arith.addf %dot_general3A_25, %add3A_29 : vector<128x1024xf32>
    %max3A = arith.constant 0.000000e+00 : f32
    %max3A_31 = vector.broadcast %max3A : f32 to vector<128x1024xf32>
    %max3A_32 = arith.maximumf %add3A_30, %max3A_31 : vector<128x1024xf32>
    %iota3A = tpu.iota {dimensions = array<i32: 0>} : vector<128x4096xi32>
    %get3A_33 = arith.constant 0 : index
    %get3A_34 = arith.constant 0 : index
    %get3A_35 = vector.load %arg2[%get3A_33, %get3A_34] : memref<1x4096xi32, #tpu.memory_space<vmem>>, vector<1x4096xi32>
    %eq3A = vector.broadcast %get3A_35 : vector<1x4096xi32> to vector<128x4096xi32>
    %eq3A_36 = arith.cmpi eq, %iota3A, %eq3A : vector<128x4096xi32>
    %convert_element_type3A = arith.extui %eq3A_36 : vector<128x4096xi1> to vector<128x4096xi32>
    %convert_element_type3A_37 = arith.sitofp %convert_element_type3A : vector<128x4096xi32> to vector<128x4096xf32>
    %get3A_38 = arith.constant 0 : index
    %get3A_39 = arith.constant 0 : index
    %get3A_40 = vector.load %arg4[%get3A_38, %get3A_39] : memref<1x4096xi32, #tpu.memory_space<vmem>>, vector<1x4096xi32>
    %eq3A_41 = vector.broadcast %get3A_40 : vector<1x4096xi32> to vector<128x4096xi32>
    %eq3A_42 = arith.cmpi eq, %iota3A, %eq3A_41 : vector<128x4096xi32>
    %convert_element_type3A_43 = arith.extui %eq3A_42 : vector<128x4096xi1> to vector<128x4096xi32>
    %convert_element_type3A_44 = arith.sitofp %convert_element_type3A_43 : vector<128x4096xi32> to vector<128x4096xf32>
    %iota3A_45 = tpu.iota {dimensions = array<i32: 1>} : vector<4096x128xi32>
    %get3A_46 = arith.constant 0 : index
    %get3A_47 = arith.constant 0 : index
    %get3A_48 = vector.load %arg3[%get3A_46, %get3A_47] : memref<4096x1xi32, #tpu.memory_space<vmem>>, vector<4096x1xi32>
    %eq3A_49 = vector.broadcast %get3A_48 : vector<4096x1xi32> to vector<4096x128xi32>
    %eq3A_50 = arith.cmpi eq, %eq3A_49, %iota3A_45 : vector<4096x128xi32>
    %convert_element_type3A_51 = arith.extui %eq3A_50 : vector<4096x128xi1> to vector<4096x128xi32>
    %convert_element_type3A_52 = arith.sitofp %convert_element_type3A_51 : vector<4096x128xi32> to vector<4096x128xf32>
    %reduce_sum3A = arith.constant dense<0.000000e+00> : vector<128xf32>
    %reduce_sum3A_53 = vector.multi_reduction <add>, %convert_element_type3A_37, %reduce_sum3A [1] : vector<128x4096xf32> to vector<128xf32>
    %broadcast_in_dim3A = vector.shape_cast %reduce_sum3A_53 : vector<128xf32> to vector<128x1xf32>
    %reduce_sum3A_54 = arith.constant dense<0.000000e+00> : vector<128xf32>
    %reduce_sum3A_55 = vector.multi_reduction <add>, %convert_element_type3A_44, %reduce_sum3A_54 [1] : vector<128x4096xf32> to vector<128xf32>
    %broadcast_in_dim3A_56 = vector.shape_cast %reduce_sum3A_55 : vector<128xf32> to vector<128x1xf32>
    %max3A_57 = arith.constant 1.000000e+00 : f32
    %max3A_58 = vector.broadcast %max3A_57 : f32 to vector<128x1xf32>
    %max3A_59 = arith.maximumf %broadcast_in_dim3A, %max3A_58 : vector<128x1xf32>
    %rsqrt3A = math.rsqrt %max3A_59 : vector<128x1xf32>
    %max3A_60 = arith.constant 1.000000e+00 : f32
    %max3A_61 = vector.broadcast %max3A_60 : f32 to vector<128x1xf32>
    %max3A_62 = arith.maximumf %broadcast_in_dim3A_56, %max3A_61 : vector<128x1xf32>
    %rsqrt3A_63 = math.rsqrt %max3A_62 : vector<128x1xf32>
    %dot_general3A_64 = arith.constant dense<0.000000e+00> : vector<128x128xf32>
    %dot_general3A_65 = tpu.matmul %convert_element_type3A_44, %convert_element_type3A_52, %dot_general3A_64 {dimension_numbers = #tpu.dot_dimension_numbers<[1], [0], [0], [1], [0, 0, 1, 1], [], []>, transpose_lhs_hint = false} : vector<128x4096xf32>, vector<4096x128xf32>, vector<128x128xf32> -> vector<128x128xf32>
    %mul3A_66 = vector.broadcast %rsqrt3A : vector<128x1xf32> to vector<128x1024xf32>
    %mul3A_67 = arith.mulf %max3A_32, %mul3A_66 : vector<128x1024xf32>
    %dot_general3A_68 = arith.constant dense<0.000000e+00> : vector<128x1024xf32>
    %dot_general3A_69 = tpu.matmul %dot_general3A_65, %mul3A_67, %dot_general3A_68 {dimension_numbers = #tpu.dot_dimension_numbers<[1], [0], [0], [1], [0, 0, 1, 1], [], []>, transpose_lhs_hint = false} : vector<128x128xf32>, vector<128x1024xf32>, vector<128x1024xf32> -> vector<128x1024xf32>
    %mul3A_70 = vector.broadcast %rsqrt3A_63 : vector<128x1xf32> to vector<128x1024xf32>
    %mul3A_71 = arith.mulf %dot_general3A_69, %mul3A_70 : vector<128x1024xf32>
    %get3A_72 = arith.constant 0 : index
    %get3A_73 = arith.constant 0 : index
    %get3A_74 = vector.load %arg9[%get3A_72, %get3A_73] : memref<1024x1024xf32, #tpu.memory_space<vmem>>, vector<1024x1024xf32>
    %dot_general3A_75 = arith.constant dense<0.000000e+00> : vector<128x1024xf32>
    %dot_general3A_76 = tpu.matmul %mul3A_71, %get3A_74, %dot_general3A_75 {dimension_numbers = #tpu.dot_dimension_numbers<[1], [0], [0], [1], [0, 0, 1, 1], [], []>, transpose_lhs_hint = false} : vector<128x1024xf32>, vector<1024x1024xf32>, vector<128x1024xf32> -> vector<128x1024xf32>
    %get3A_77 = arith.constant 0 : index
    %get3A_78 = arith.constant 0 : index
    %get3A_79 = vector.load %arg10[%get3A_77, %get3A_78] : memref<1x1024xf32, #tpu.memory_space<vmem>>, vector<1x1024xf32>
    %add3A_80 = vector.broadcast %get3A_79 : vector<1x1024xf32> to vector<128x1024xf32>
    %add3A_81 = arith.addf %dot_general3A_76, %add3A_80 : vector<128x1024xf32>
    %get3A_82 = arith.constant 0 : index
    %get3A_83 = arith.constant 0 : index
    %get3A_84 = vector.load %arg11[%get3A_82, %get3A_83] : memref<1024x1024xf32, #tpu.memory_space<vmem>>, vector<1024x1024xf32>
    %dot_general3A_85 = arith.constant dense<0.000000e+00> : vector<128x1024xf32>
    %dot_general3A_86 = tpu.matmul %add3A_81, %get3A_84, %dot_general3A_85 {dimension_numbers = #tpu.dot_dimension_numbers<[1], [0], [0], [1], [0, 0, 1, 1], [], []>, transpose_lhs_hint = false} : vector<128x1024xf32>, vector<1024x1024xf32>, vector<128x1024xf32> -> vector<128x1024xf32>
    %get3A_87 = arith.constant 0 : index
    %get3A_88 = arith.constant 0 : index
    %get3A_89 = vector.load %arg12[%get3A_87, %get3A_88] : memref<1x1024xf32, #tpu.memory_space<vmem>>, vector<1x1024xf32>
    %add3A_90 = vector.broadcast %get3A_89 : vector<1x1024xf32> to vector<128x1024xf32>
    %add3A_91 = arith.addf %dot_general3A_86, %add3A_90 : vector<128x1024xf32>
    %logistic3A = arith.negf %add3A_91 : vector<128x1024xf32>
    %logistic3A_92 = math.exp %logistic3A : vector<128x1024xf32>
    %logistic3A_93 = arith.constant 1.000000e+00 : f32
    %logistic3A_94 = vector.broadcast %logistic3A_93 : f32 to vector<128x1024xf32>
    %logistic3A_95 = arith.addf %logistic3A_94, %logistic3A_92 : vector<128x1024xf32>
    %logistic3A_96 = arith.divf %logistic3A_94, %logistic3A_95 : vector<128x1024xf32>
    %swap3A = arith.constant 0 : index
    %swap3A_97 = arith.constant 0 : index
    %swap3A_98 = vector.load %arg13[%swap3A, %swap3A_97] : memref<128x1024xf32, #tpu.memory_space<vmem>>, vector<128x1024xf32>
    tpu.vector_store %arg13[%swap3A, %swap3A_97], %logistic3A_96 {strides = array<i32>} : memref<128x1024xf32, #tpu.memory_space<vmem>>, vector<128x1024xf32>,
    return
  }
}

</mosaic_0001>

<sc_bundles>
// kernel: kernel.4.cloned.1.call-start
scs
__scs_entry_jumppad:
0x0: {  	(pc) =	sbr.rel $0x88, $3  }
0x1: {  	(tag) =	ssettag $0x0;
	lr =	simm.s32 $0x1  }
0x2: {  	[smem:$0x3F94] =	sst lr;
	_ =	strace $0xD0000000  }
0x3: {  	_ = 	snop  }
0x4: {  	_ = 	snop  }
0x5: {  	_ = 	snop  }
0x6: {  	_ = 	snop  }
0x7: {  	_ = 	snop  }
__scs_overlays_trampoline_lowered:
0x8: {  	[smem:$0x3FA3] =	sst s0  }
0x9: {  	[smem:$0x3FA4] =	sst s1  }
0xa: {  	[smem:$0x3FA5] =	sst s2  }
0xb: {  	[smem:$0x3FA6] =	sst s3  }
0xc: {  	[smem:$0x3FA7] =	sst s4  }
0xd: {  	[smem:$0x3FA8] =	sst s5  }
0xe: {  	[smem:$0x3FA9] =	sst s6  }
0xf: {  	[smem:$0x3FAA] =	sst s7  }
0x10: {  	[smem:$0x3FAB] =	sst s8  }
0x11: {  	[smem:$0x3FAC] =	sst s9;
	s0 =	simm.s32 @!p0 $0x0  }
0x12: {  	s1 =	sld [smem:$0x3F92];
	s0 =	simm.s32 @p0 $0x1  }
0x13: {  	[smem:$0x3FAD] =	sst s0;
	s0 =	simm.s32 @!p1 $0x0  }
0x14: {  	s2 =	sld [smem:$0x3F91];
	s0 =	simm.s32 @p1 $0x1  }
0x15: {  	[smem:$0x3FAE] =	sst s0;
	s0 =	simm.s32 @!p2 $0x0  }
0x16: {  	s3 =	sld [smem:$0x3FDB];
	s0 =	simm.s32 @p2 $0x1  }
0x17: {  	s4 =	simm.s32 $0x1BF5;
	[smem:$0x3FB0] =	sst s0  }
0x18: {  	s0 =	sld [smem:$0x3F93];
	_ =	swait.ge [sflag:s4], $0x0  }
0x19: {  	s7 =	sld [smem:$0x3F94]  }
0x1a: {  	s8 =	sadd.s32 $0xFFFFE003, lr  }
0x1b: {  	s9 =	sadd.s32 $0xFFFFFEF7, lr;
	s5 =	simm.s32 $0xFFFFFFFF;
	p2 =	slt.u32 s8, $0xFFFFF086  }
0x1c: {  	p1 =	slt.u32 s9, $0xF7A;
	s5 =	simm.s32 @!p2 $0x0  }
0x1d: {  	s5 =	simm.s32 @p1 $0x1;
	p0 =	seq.s32 s7, s2  }
0x1e: {  	s7 =	smul.u32 @!p0 $0xF7A, s2;
	p2 =	seq.s32 @!p0 s5, $0x0  }
0x1f: {  	s9 =	smul.u32 $0xF7A, s1;
	s8 =	simm.s32 @!p0 $0x1BF5;
	p2 =	por !p2, p0  }
0x20: {  	[sflag:s8] =	ssyncset.s32 @!p0 $0xFFFFF086;
	s6 =	sadd.s32 @!p0 s3, s7;
	s7 =	simm.s32 @!p0 $0x108  }
0x21: {  	s3 =	sadd.s32 s3, s9;
	s6 =	sadd.s32 @!p0 $0x88, s6;
	s7 =	simm.s32 @p2 $0x1082  }
0x22: {  	[simem:s7], [sflag:s8] =	dma.local @!p0 [hbm:s6], $0xF7A  }
0x23: {  	s9 =	sor.u32 $0xD0000000, s2;
	s6 =	simm.s32 $0x108;
	_ =	swait.ge @!p0 [sflag:s8], $0x0  }
0x24: {  	s3 =	sadd.s32 $0x88, s3;
	s6 =	simm.s32 @!p1 $0x1082;
	[sflag:s4] =	ssyncset.s32 $0xFFFFF086  }
0x25: {  	[simem:s6], [sflag:s4] =	dma.local [hbm:s3], $0xF7A  }
0x26: {  	[smem:$0x3F94] =	sst s1;
	(tag) =	ssettag s2;
	_ =	strace s9  }
0x27: {  	s1 =	sld [smem:$0x3FA4]  }
0x28: {  	s2 =	sld [smem:$0x3FA5]  }
0x29: {  	s4 =	sld [smem:$0x3FA7]  }
0x2a: {  	p0 =	seq.s32 s5, $0x0;
	s5 =	sld [smem:$0x3FA8]  }
0x2b: {  	s6 =	sld [smem:$0x3FA9]  }
0x2c: {  	s7 =	sld [smem:$0x3FAA]  }
0x2d: {  	s3 =	simm.s32 $0x108;
	s8 =	sld [smem:$0x3FAB]  }
0x2e: {  	s3 =	simm.s32 @!p0 $0x1082;
	s9 =	sld [smem:$0x3FAC]  }
0x2f: {  	lr =	sadd.s32 s0, s3;
	s0 =	sld [smem:$0x3FA3]  }
0x30: {  	s3 =	sld [smem:$0x3FA6]  }
0x31: {  	[smem:$0x3FAF] =	sst s10  }
0x32: {  	s10 =	sld [smem:$0x3FAD];
	_ =	sdelay $0x3  }
0x33: {  	p0 =	seq.s32 s10, $0x1;
	s10 =	sld [smem:$0x3FAF];
	_ =	sdelay $0x3  }
0x34: {  	[smem:$0x3FAF] =	sst s10  }
0x35: {  	s10 =	sld [smem:$0x3FAE];
	_ =	sdelay $0x3  }
0x36: {  	p1 =	seq.s32 s10, $0x1;
	s10 =	sld [smem:$0x3FAF];
	_ =	sdelay $0x3  }
0x37: {  	[smem:$0x3FAF] =	sst s10  }
0x38: {  	s10 =	sld [smem:$0x3FB0]  }
0x39: {  	_ = 	snop;
	(pc) =	sbr.ind lr, $3  }
0x3a: {  	_ = 	snop  }
0x3b: {  	_ = 	snop  }
0x3c: {  	p2 =	seq.s32 s10, $0x1;
	s10 =	sld [smem:$0x3FAF]  }
0x3d: {  	_ =	shalt  }
0x3e: {  	_ =	shalt  }
0x3f: {  	_ =	shalt  }
0x40: {  	_ =	shalt  }
0x41: {  	_ =	shalt  }
0x42: {  	_ =	shalt  }
0x43: {  	_ =	shalt  }
0x44: {  	_ =	shalt  }
0x45: {  	_ =	shalt  }
0x46: {  	_ =	shalt  }
0x47: {  	_ =	shalt  }
0x48: {  	_ =	shalt  }
0x49: {  	_ =	shalt  }
0x4a: {  	_ =	shalt  }
0x4b: {  	_ =	shalt  }
0x4c: {  	_ =	shalt  }
0x4d: {  	_ =	shalt  }
0x4e: {  	_ =	shalt  }
0x4f: {  	_ =	shalt  }
0x50: {  	_ =	shalt  }
0x51: {  	_ =	shalt  }
0x52: {  	_ =	shalt  }
0x53: {  	_ =	shalt  }
0x54: {  	_ =	shalt  }
0x55: {  	_ =	shalt  }
0x56: {  	_ =	shalt  }
0x57: {  	_ =	shalt  }
0x58: {  	_ =	shalt  }
0x59: {  	_ =	shalt  }
0x5a: {  	_ =	shalt  }
0x5b: {  	_ =	shalt  }
0x5c: {  	_ =	shalt  }
0x5d: {  	_ =	shalt  }
0x5e: {  	_ =	shalt  }
0x5f: {  	_ =	shalt  }
0x60: {  	_ =	shalt  }
0x61: {  	_ =	shalt  }
0x62: {  	_ =	shalt  }
0x63: {  	_ =	shalt  }
0x64: {  	_ =	shalt  }
0x65: {  	_ =	shalt  }
0x66: {  	_ =	shalt  }
0x67: {  	_ =	shalt  }
0x68: {  	_ =	shalt  }
0x69: {  	_ =	shalt  }
0x6a: {  	_ =	shalt  }
0x6b: {  	_ =	shalt  }
0x6c: {  	_ =	shalt  }
0x6d: {  	_ =	shalt  }
0x6e: {  	_ =	shalt  }
0x6f: {  	_ =	shalt  }
0x70: {  	_ =	shalt  }
0x71: {  	_ =	shalt  }
0x72: {  	_ =	shalt  }
0x73: {  	_ =	shalt  }
0x74: {  	_ =	shalt  }
0x75: {  	_ =	shalt  }
0x76: {  	_ =	shalt  }
0x77: {  	_ =	shalt  }
0x78: {  	_ =	shalt  }
0x79: {  	_ =	shalt  }
0x7a: {  	_ =	shalt  }
0x7b: {  	_ =	shalt  }
0x7c: {  	_ =	shalt  }
0x7d: {  	_ =	shalt  }
0x7e: {  	_ =	shalt  }
0x7f: {  	_ =	shalt  }
0x80: {  	_ =	shalt  }
0x81: {  	_ =	shalt  }
0x82: {  	_ =	shalt  }
0x83: {  	_ =	shalt  }
0x84: {  	_ =	shalt  }
0x85: {  	_ =	shalt  }
0x86: {  	_ =	shalt  }
0x87: {  	_ =	shalt  }
.Lfunc_end0:
.L_simem_size_0:
called_computation_lowered:
.L_overlay_start_0:
0x88: {  	s2 =	sld [smem:$0x3FD9]  }
0x89: {  	s3 =	sld [smem:$0x3FFE];
	_ =	sdelay $0x1  }
0x8a: {  	s1 =	srdreg.scid  }
0x8b: {  	s0 =	sand.u32 $0x1, s1  }
0x8c: {  	s17 =	sshll.u32 s0, $0xA;
	s2 =	sadd.s32 s3, s2  }
0x8d: {  	s2 =	sadd.s32 s2, s17  }
0x8e: {  	[smem:$0x3FBB] =	sst s2  }
0x8f: {  	_ = 	snop  }
0x90: {  	s2 =	sld [smem:$0x3FC8]  }
0x91: {  	s18 =	sld [smem:$0x3FC7]  }
0x92: {  	s4 =	sld [smem:$0x3FD0];
	(tm) =	ssettm $0x1  }
0x93: {  	s5 =	sld [smem:$0x3FFB];
	_ =	sdelay $0x3  }
0x94: {  	_ =	strace s5  }
0x95: {  	s5 =	sld [smem:$0x3FFC];
	_ =	sdelay $0x3  }
0x96: {  	_ =	strace s5  }
0x97: {  	s5 =	sld [smem:$0x3FFD];
	_ =	sdelay $0x3  }
0x98: {  	_ =	strace s5  }
0x99: {  	_ =	strace $0x8FFFFFFF  }
0x9a: {  	s19 =	sld [smem:$0x3FDB];
	_ =	sdelay $0x1  }
0x9b: {  	s6 =	simm.s32 $_scs_section_size  }
0x9c: {  	s7 =	simm.s32 $_size__tile_overlayer_lowered;
	s8 =	simm.s32 $_tile_overlayer_lowered  }
0x9d: {  	s22 =	simm.s32 $0x1BFF;
	s21 =	sshll.u32 s8, $0x1;
	s5 =	sadd.s32 s6, s19  }
0x9e: {  	s9 =	simm.s32 $0x0;
	s20 =	sshll.u32 s7, $0x1;
	s7 =	sadd.s32 s21, s5  }
0x9f: {  	[timem:s9], [sflag:s22] =	dma.local [hbm:s7], s20  }
0xa0: {  	_ =	swait.ge [sflag:s22], s20  }
0xa1: {  	s6 =	ssub.s32 $0x0, s20;
	[sflag:s22] =	ssyncset.done $0x0  }
0xa2: {  	[sflag:s22] =	ssyncadd.s32 s6;
	_ =	sdelay $0x1  }
0xa3: {  	s23 =	simm.s32 $0x1B8B  }
0xa4: {  	_ =	swait.ge [sflag:s23], $0x1  }
0xa5: {  	[sflag:s23] =	ssyncset.done $0x0  }
0xa6: {  	s25 =	simm.s32 $0x1B8E;
	s24 =	sld [smem:$0x3FFE];
	[sflag:s23] =	ssyncadd.s32 $0xFFFFFFFF  }
0xa7: {  	s26 =	simm.s32 $execute0_lowered;
	[smem:$0x3FD2] =	sst s25  }
0xa8: {  	s7 =	sshll.u32 s26, $0x1;
	_ =	strace $0x80000046;
	[dreg:$0x1] =	wrdreg $0xFFFFFFFF  }
0xa9: {  	s28 =	simm.s32 $_size_execute0_lowered;
	s5 =	sadd.s32 s5, s7;
	[dreg:$0x0] =	wrdreg $0x0  }
0xaa: {  	s7 =	sshll.u32 s28, $0x1;
	[dreg:$0x2] =	wrdreg s5  }
0xab: {  	[dreg:$0x3] =	wrdreg s7  }
0xac: {  	[dreg:$0x4] =	wrdreg $0xC0  }
0xad: {  	_ =	task [dreg:s9], $0x5FFFF  }
0xae: {  	[dreg:$0x1] =	wrdreg $0xFFFFFFFF  }
0xaf: {  	[dreg:$0x0] =	wrdreg $0x60  }
0xb0: {  	[dreg:$0x2] =	wrdreg s24  }
0xb1: {  	[dreg:$0x3] =	wrdreg s2  }
0xb2: {  	[dreg:$0x4] =	wrdreg s18  }
0xb3: {  	[dreg:$0x5] =	wrdreg s4  }
0xb4: {  	[dreg:$0x6] =	wrdreg $0xC0800  }
0xb5: {  	[dreg:$0x7] =	wrdreg $0x140800  }
0xb6: {  	[dreg:$0x8] =	wrdreg $0x9  }
0xb7: {  	_ =	task.clear_ibuf [dreg:s9], $0x9FFFF;
	_ =	strace $0x90000046  }
0xb8: {  	s29 =	simm.s32 $0x9;
	_ =	strace $0x80000048  }
0xb9: {  	_ =	swait.ge [sflag:s29], $0x1  }
0xba: {  	[sflag:s29] =	ssyncadd.s32 $0xFFFFFFFF  }
0xbb: {  	_ =	strace $0x90000048  }
0xbc: {  	_ =	sfence  }
0xbd: {  	s30 =	sld [smem:$0x0];
	_ =	sdelay $0x2  }
0xbe: {  	s31 =	sshll.u32 s1, $0xD;
	s1 =	sshrl.u32 s1, $0x2  }
0xbf: {  	s3 =	sand.u32 $0x4000, s31;
	s1 =	sadd.s32 s1, s30  }
0xc0: {  	s0 =	sor.u32 s3, s0;
	s1 =	sshll.u32 s1, $0x11  }
0xc1: {  	s0 =	sor.u32 s1, s0  }
0xc2: {  	s0 =	sadd.s32 $0x8F2B, s0  }
0xc3: {  	[sflag:s0] =	ssyncadd.remote.s32 $0x1  }
0xc4: {  	_ =	sfence.sel $0xFFFF  }
0xc5: {  	[dreg:$0x0] =	wrdreg $0xFFFFFFFF;
	(pc) =	sbr.abs _section_cstart, $3  }
0xc6: {  	[dreg:$0x1] =	wrdreg $0xFFFFFFFF  }
0xc7: {  	_ =	task.clear_ibuf [dreg:s9], $0x2FFFF;
	_ =	strace $0x9FFFFFFF  }
0xc8: {  	(tm) =	ssettm $0x7FFFFFFF  }
0xc9: {  	_ =	shalt  }
tec
execute0_lowered:
.L_overlay_start_1:
0x0: {  	(tag) =	ssettag $0x1  }
0x1: {  	s0 =	rddreg [dreg:$0x0]  }
0x2: {  	s1 =	rddreg [dreg:$0x1]  }
0x3: {  	s2 =	rddreg [dreg:$0x2]  }
0x4: {  	s5 =	rddreg [dreg:$0x4]  }
0x5: {  	s6 =	rddreg [dreg:$0x5];
	s7 =	simm.s32 $0x0;
	s12 =	stileid.u32  }
0x6: {  	s3 =	srdreg.scid;
	s29 =	simm.s32 $0x4;
	s30 =	simm.s32 $0x2  }
0x7: {  	s31 =	simm.s32 $0x7000;
	s4 =	sshll.u32 s12, $0xF;
	s8 =	sshll.u32 s12, $0x7  }
0x8: {  	[smem:$0x7FF] =	sst s7;
	s3 =	sand.u32 $0x1, s3;
	s10 =	sshll.u32 s12, $0xC  }
0x9: {  	s26 =	sshll.u32 s12, $0x14;
	s28 =	sshll.u32 s12, $0x6;
	s12 =	sadd.s32 $0x10, s1  }
0xa: {  	s8 =	sor.u32 s4, s8;
	_ =	strace $0x80000047;
	s9 =	sshll.u32 s3, $0x13  }
0xb: {  	s3 =	ssub.s32 $0x2, s3;
	s10 =	sadd.s32 s10, s0;
	s14 =	sor.u32 $0x1C06, s28  }
0xc: {  	s20 =	sadd.s32 s4, s6;
	s8 =	sand.u32 $0x40380, s8;
	s11 =	sshrl.u32 s3, $0x1  }
0xd: {  	s10 =	sadd.s32 $0x1600, s10;
	[dreg:$0x8] =	wrdreg s14;
	s8 =	sor.u32 s9, s8  }
0xe: {  	[dreg:$0x9] =	wrdreg s20;
	s3 =	ssub.s32 s3, s11;
	s8 =	sshrl.u32 s8, $0x3  }
0xf: {  	[dreg:$0x7] =	wrdreg s10;
	s0 =	sadd.s32 s8, s0;
	s8 =	sor.u32 s9, s26  }
0x10: {  	s9 =	sadd.s32 s4, s5;
	s11 =	sshrl.u32 s8, $0x2;
	s16 =	sshrl.u32 s8, $0x7  }
0x11: {  	s17 =	sshrl.u32 s8, $0x3;
	s0 =	sadd.s32 $0x11600, s0;
	s15 =	sadd.s32 s1, s11  }
0x12: {  	s13 =	sor.u32 $0x20, s16;
	s10 =	sadd.s32 s11, s12;
	s18 =	sadd.s32 s2, s17  }
0x13: {  	s23 =	sor.u32 $0x40, s16;
	s4 =	sor.u32 $0xFE0, s16;
	[dreg:$0x16] =	wrdreg s0  }
0x14: {  	s16 =	sshrl.u32 s9, $0x3;
	s17 =	sadd.s32 $0x1000, s20;
	[dreg:$0xa] =	wrdreg s15  }
0x15: {  	s0 =	simm.s32 $0x8000;
	s9 =	simm.s32 $0x0;
	[dreg:$0xb] =	wrdreg s10  }
0x16: {  	[dreg:$0xc] =	wrdreg s18;
	s19 =	sshll.u32 s13, $0x5;
	s22 =	sshll.u32 s13, $0x4  }
0x17: {  	s25 =	sshll.u32 s23, $0x5;
	s28 =	sshll.u32 s23, $0x4;
	[dreg:$0x18] =	wrdreg s16  }
0x18: {  	s23 =	sor.u32 $0x5000, s8;
	s15 =	smax.u32 s3, $0x1;
	[dreg:$0x19] =	wrdreg s17  }
0x19: {  	s11 =	sshll.u32 s4, $0x5;
	s18 =	sadd.s32 $0x2000, s20;
	[dreg:$0x17] =	wrdreg s15  }
0x1a: {  	s4 =	sshll.u32 s4, $0x4;
	s21 =	sadd.s32 s1, s19;
	[dreg:$0x1a] =	wrdreg s18  }
0x1b: {  	s16 =	simm.s32 $0x3000;
	s10 =	sadd.s32 s19, s12;
	[dreg:$0xd] =	wrdreg s21  }
0x1c: {  	s17 =	simm.s32 $0x80;
	s24 =	sadd.s32 s2, s22;
	[dreg:$0xe] =	wrdreg s10  }
0x1d: {  	s26 =	sadd.s32 s1, s25;
	s22 =	sor.u32 $0x4000, s8;
	[dreg:$0xf] =	wrdreg s24  }
0x1e: {  	s13 =	sadd.s32 s1, s11;
	s4 =	sadd.s32 s2, s4;
	[dreg:$0x10] =	wrdreg s26  }
0x1f: {  	s19 =	sadd.s32 $0x3000, s20;
	s15 =	simm.s32 $0xC000;
	[dreg:$0x13] =	wrdreg s13  }
0x20: {  	s18 =	simm.s32 $0x100;
	s10 =	sadd.s32 s25, s12;
	[dreg:$0x15] =	wrdreg s4  }
0x21: {  	s21 =	sor.u32 $0x3000, s8;
	s8 =	sadd.s32 s11, s12;
	[dreg:$0x1b] =	wrdreg s19  }
0x22: {  	s24 =	sadd.s32 $0x4000, s20;
	s25 =	sadd.s32 $0x5000, s20;
	[dreg:$0x11] =	wrdreg s10  }
0x23: {  	s26 =	sadd.s32 $0x6000, s20;
	s19 =	simm.s32 $0x1000;
	[dreg:$0x14] =	wrdreg s8  }
0x24: {  	s4 =	simm.s32 $0x9000;
	s11 =	simm.s32 $0x3;
	[dreg:$0x1c] =	wrdreg s24  }
0x25: {  	s13 =	simm.s32 $0xB000;
	s10 =	sadd.s32 s2, s28;
	[dreg:$0x1d] =	wrdreg s25  }
0x26: {  	[dreg:$0x1e] =	wrdreg s26;
	s28 =	sadd.s32 $0x7000, s20;
	s24 =	simm.s32 $0x1  }
0x27: {  	s25 =	simm.s32 $0x4000;
	s26 =	simm.s32 $0x5000;
	[dreg:$0x12] =	wrdreg s10  }
0x28: {  	v0 =	vimm.f32 $0.0e+00;
	s8 =	simm.s32 $0x5;
	[dreg:$0x1f] =	wrdreg s28;
	s10 =	simm.s32 $0x6  }
.LBB2_1:
0x29: {  	[smem:$0x7FD] =	sst s9  }
0x2a: {  	s3 =	rddreg [dreg:$0x7]  }
0x2b: {  	s28 =	rddreg [dreg:$0x18]  }
0x2c: {  	[spmem:s28], [sflag:s14] =	dma.local [hbm:s3], $0x1000  }
0x2d: {  	_ =	swait.ge [sflag:s10], $0x1000  }
0x2e: {  	[sflag:s10] =	ssyncset.done $0x0  }
0x2f: {  	[sflag:s10] =	ssyncadd.s32 $0xFFFFF000  }
0x30: {  	s28 =	rddreg [dreg:$0x3]  }
0x31: {  	[tilespmem:s15], [sflag:$0x6] =	stream.linear.gather [hbm4b:s28+s7], $0x80, $0x38;
	[tilespmem:$0x1C080] =	vst v63  }
0x32: {  	_ =	swait.ge [sflag:s10], $0x80  }
0x33: {  	[sflag:s10] =	ssyncset.done $0x0  }
0x34: {  	s9 =	simm.s32 $0x0;
	s3 =	simm.s32 $0x40;
	[sflag:s10] =	ssyncadd.s32 $0xFFFFFF80  }
.LBB2_2:
0x35: {  	p0 =	sne.s32 s3, $0x3FC0;
	[tilespmem:s9+$0x3000] =	vst v0;
	s9 =	smov.u32 s3;
	s3 =	sadd.s32 $0x40, s3  }
.Ltmp0:
0x36: {  	(pc) =	sbr.rel @p0 .LBB2_2-.Ltmp0, $2  }
0x37: {  	_ =	sdelay $0x2  }
0x38: {  	s9 =	sshra.s32 s9, $0x2  }
0x39: {  	[tilespmem:s9+$0x3000] =	vst v0  }
0x3a: {  	[spmem:s20] =	stream.linear.scatter [tilespmem:s16], [sflag:$0x6], $0x1000, $0x38;
	[tilespmem:$0x1C080] =	vst v63  }
0x3b: {  	_ =	swait.ge [sflag:s10], $0x1000  }
0x3c: {  	[sflag:s10] =	ssyncset.done $0x0  }
0x3d: {  	s3 =	rddreg [dreg:$0x19];
	[sflag:s10] =	ssyncadd.s32 $0xFFFFF000  }
0x3e: {  	[spmem:s3] =	stream.linear.scatter [tilespmem:s16], [sflag:$0x6], $0x1000, $0x38;
	[tilespmem:$0x1C080] =	vst v63  }
0x3f: {  	_ =	swait.ge [sflag:s10], $0x1000  }
0x40: {  	[sflag:s10] =	ssyncset.done $0x0  }
0x41: {  	s20 =	rddreg [dreg:$0x1a];
	[sflag:s10] =	ssyncadd.s32 $0xFFFFF000  }
0x42: {  	[spmem:s20] =	stream.linear.scatter [tilespmem:s16], [sflag:$0x6], $0x1000, $0x38;
	[tilespmem:$0x1C080] =	vst v63  }
0x43: {  	_ =	swait.ge [sflag:s10], $0x1000  }
0x44: {  	[sflag:s10] =	ssyncset.done $0x0  }
0x45: {  	s28 =	rddreg [dreg:$0x1b];
	[sflag:s10] =	ssyncadd.s32 $0xFFFFF000  }
0x46: {  	[spmem:s28] =	stream.linear.scatter [tilespmem:s16], [sflag:$0x6], $0x1000, $0x38;
	[tilespmem:$0x1C080] =	vst v63  }
0x47: {  	_ =	swait.ge [sflag:s10], $0x1000  }
0x48: {  	[sflag:s10] =	ssyncset.done $0x0  }
0x49: {  	s9 =	rddreg [dreg:$0x1c];
	[sflag:s10] =	ssyncadd.s32 $0xFFFFF000  }
0x4a: {  	[spmem:s9] =	stream.linear.scatter [tilespmem:s16], [sflag:$0x6], $0x1000, $0x38;
	[tilespmem:$0x1C080] =	vst v63  }
0x4b: {  	_ =	swait.ge [sflag:s10], $0x1000  }
0x4c: {  	[sflag:s10] =	ssyncset.done $0x0  }
0x4d: {  	s14 =	rddreg [dreg:$0x1d];
	[sflag:s10] =	ssyncadd.s32 $0xFFFFF000  }
0x4e: {  	[spmem:s14] =	stream.linear.scatter [tilespmem:s16], [sflag:$0x6], $0x1000, $0x38;
	[tilespmem:$0x1C080] =	vst v63  }
0x4f: {  	_ =	swait.ge [sflag:s10], $0x1000  }
0x50: {  	[sflag:s10] =	ssyncset.done $0x0  }
0x51: {  	s20 =	rddreg [dreg:$0x1e];
	[sflag:s10] =	ssyncadd.s32 $0xFFFFF000  }
0x52: {  	[spmem:s20] =	stream.linear.scatter [tilespmem:s16], [sflag:$0x6], $0x1000, $0x38;
	[tilespmem:$0x1C080] =	vst v63  }
0x53: {  	_ =	swait.ge [sflag:s10], $0x1000  }
0x54: {  	[sflag:s10] =	ssyncset.done $0x0  }
0x55: {  	s28 =	rddreg [dreg:$0x1f];
	[sflag:s10] =	ssyncadd.s32 $0xFFFFF000  }
0x56: {  	[spmem:s28] =	stream.linear.scatter [tilespmem:s16], [sflag:$0x6], $0x1000, $0x38;
	[tilespmem:$0x1C080] =	vst v63  }
0x57: {  	_ =	swait.ge [sflag:s10], $0x1000  }
0x58: {  	[sflag:s10] =	ssyncset.done $0x0  }
0x59: {  	[sflag:s10] =	ssyncadd.s32 $0xFFFFF000  }
0x5a: {  	[bflag:$0x0] =	sbarrier.arrive $0xFFFF  }
0x5b: {  	s9 =	rddreg [dreg:$0xa]  }
0x5c: {  	[tilespmem:s7], [sflag:$0x1] =	stream.strided.gather [hbm4b:s9+s17], $0x1000, s18, s17, $0x38;
	[tilespmem:$0x1C080] =	vst v63  }
0x5d: {  	s10 =	rddreg [dreg:$0xb]  }
0x5e: {  	[tilespmem:s19], [sflag:$0x1] =	stream.strided.gather [hbm4b:s10+s17], $0x1000, s18, s17, $0x38;
	[tilespmem:$0x1C080] =	vst v63  }
0x5f: {  	s20 =	simm.s32 $0x2000;
	s14 =	rddreg [dreg:$0xc]  }
0x60: {  	[tilespmem:s20], [sflag:$0x1] =	stream.linear.gather [hbm4b:s14+s7], $0x1000, $0x38;
	[tilespmem:$0x1C080] =	vst v63  }
0x61: {  	_ =	swait.ge [sflag:s24], $0x1000  }
0x62: {  	[sflag:s24] =	ssyncset.done $0x0  }
0x63: {  	[sflag:s24] =	ssyncadd.s32 $0xFFFFF000  }
0x64: {  	_ =	swait.ge [sflag:s24], $0x1000  }
0x65: {  	[sflag:s24] =	ssyncset.done $0x0  }
0x66: {  	[sflag:s24] =	ssyncadd.s32 $0xFFFFF000  }
0x67: {  	_ =	swait.ge [sflag:s24], $0x1000  }
0x68: {  	[sflag:s24] =	ssyncset.done $0x0  }
0x69: {  	[sflag:s24] =	ssyncadd.s32 $0xFFFFF000  }
0x6a: {  	[tilespmem:s16], [sflag:$0x4] =	stream.indirect.gather [spmem:s5], $0x1, s7, s19, $0xb8;
	[tilespmem:$0x1C080] =	vst v63  }
0x6b: {  	s28 =	rddreg [dreg:$0xd]  }
0x6c: {  	[tilespmem:s25], [sflag:$0x2] =	stream.strided.gather [hbm4b:s28+s17], $0x1000, s18, s17, $0x38;
	[tilespmem:$0x1C080] =	vst v63  }
0x6d: {  	s9 =	rddreg [dreg:$0xe]  }
0x6e: {  	[tilespmem:s26], [sflag:$0x2] =	stream.strided.gather [hbm4b:s9+s17], $0x1000, s18, s17, $0x38;
	[tilespmem:$0x1C080] =	vst v63  }
0x6f: {  	s14 =	simm.s32 $0x6000;
	s10 =	rddreg [dreg:$0xf]  }
0x70: {  	[tilespmem:s14], [sflag:$0x2] =	stream.linear.gather [hbm4b:s10+s7], $0x1000, $0x38;
	[tilespmem:$0x1C080] =	vst v63  }
0x71: {  	_ =	swait.ge [sflag:s29], $0x1000  }
0x72: {  	[sflag:s29] =	ssyncset.done $0x0  }
0x73: {  	s20 =	simm.s32 $0x2020;
	[sflag:s29] =	ssyncadd.s32 $0xFFFFF000  }
0x74: {  	v1 =	vld [tilespmem:s20+$0x10]  }
0x75: {  	v2 =	vld [tilespmem:s20+$0xFFFFFFF0]  }
0x76: {  	v3 =	vld [tilespmem:s20+$0xFFFFFFE0]  }
0x77: {  	s9 =	simm.s32 $0x3020;
	v4 =	vld [tilespmem:s20+$0x0]  }
0x78: {  	s28 =	simm.s32 $0x2060;
	v7 =	vld [tilespmem:s9+$0x10]  }
0x79: {  	v5 =	vld [tilespmem:s28+$0x10]  }
0x7a: {  	v10 =	vld [tilespmem:s28+$0xFFFFFFF0]  }
0x7b: {  	v11 =	vld [tilespmem:s28+$0xFFFFFFE0]  }
0x7c: {  	v12 =	vld [tilespmem:s9+$0xFFFFFFE0]  }
0x7d: {  	v13 =	vld [tilespmem:s9+$0xFFFFFFF0]  }
0x7e: {  	v6 =	vld [tilespmem:s9+$0x0]  }
0x7f: {  	v1 =	vld.idx.msk [tilespmem:v1+s15+$0x0], $0xffff  }
0x80: {  	v9 =	vld.idx.msk [tilespmem:v2+s15+$0x0], $0xffff  }
0x81: {  	v8 =	vld.idx.msk [tilespmem:v3+s15+$0x0], $0xffff  }
0x82: {  	v2 =	vld [tilespmem:s28+$0x0]  }
0x83: {  	v3 =	vld.idx.msk [tilespmem:v4+s15+$0x0], $0xffff  }
0x84: {  	s10 =	simm.s32 $0x3060;
	v5 =	vld.idx.msk [tilespmem:v5+s15+$0x0], $0xffff  }
0x85: {  	v1 =	vmul.f32 v7, v1;
	v7 =	vld [tilespmem:s10+$0x10]  }
0x86: {  	v4 =	vld.idx.msk [tilespmem:v10+s15+$0x0], $0xffff;
	v8 =	vmul.f32 v12, v8  }
0x87: {  	s3 =	simm.s32 $0x20A0;
	s14 =	simm.s32 $0x40;
	v9 =	vmul.f32 v13, v9;
	[tilespmem:s9+$0x10] =	vst v1;
	v1 =	vld.idx.msk [tilespmem:v11+s15+$0x0], $0xffff  }
.LBB2_4:
0x88: {  	v10 =	vld [tilespmem:s3+$0x10];
	s14 =	sadd.s32 $0x40, s14;
	[tilespmem:s9+$0xFFFFFFE0] =	vst v8;
	v3 =	vmul.f32 v6, v3  }
0x89: {  	v8 =	vld [tilespmem:s3+$0xFFFFFFF0];
	p0 =	slt.u32 s14, $0xFC0;
	[tilespmem:s9+$0xFFFFFFF0] =	vst v9  }
0x8a: {  	v9 =	vld [tilespmem:s3+$0x0];
	v5 =	vmul.f32 v7, v5;
	[tilespmem:s9+$0x0] =	vst v3;
	s9 =	smov.u32 s10  }
0x8b: {  	v11 =	vld [tilespmem:s3+$0xFFFFFFE0]  }
0x8c: {  	v12 =	vmov v4;
	v3 =	vld.idx.msk [tilespmem:v2+s15+$0x0], $0xffff;
	[tilespmem:s10+$0x10] =	vst v5  }
0x8d: {  	v13 =	vld [tilespmem:s10+$0xFFFFFFE0]  }
0x8e: {  	v14 =	vld [tilespmem:s10+$0xFFFFFFF0]  }
.Ltmp1:
0x8f: {  	v6 =	vld [tilespmem:s10+$0x0];
	v2 =	vmov v9;
	(pc) =	sbr.rel @p0 .LBB2_4-.Ltmp1, $4  }
0x90: {  	s10 =	sadd.s32 $0x40, s10;
	v5 =	vld.idx.msk [tilespmem:v10+s15+$0x0], $0xffff  }
0x91: {  	v7 =	vld [tilespmem:s10+$0x10]  }
0x92: {  	v4 =	vld.idx.msk [tilespmem:v8+s15+$0x0], $0xffff;
	v8 =	vmul.f32 v13, v1  }
0x93: {  	s3 =	sadd.s32 $0x40, s3;
	v1 =	vld.idx.msk [tilespmem:v11+s15+$0x0], $0xffff;
	v9 =	vmul.f32 v14, v12  }
0x94: {  	_ =	sdelay $0x3  }
0x95: {  	v2 =	vld.idx.msk [tilespmem:v2+s15+$0x0], $0xffff  }
0x96: {  	v10 =	vld [tilespmem:s10+$0xFFFFFFE0]  }
0x97: {  	v11 =	vld [tilespmem:s10+$0xFFFFFFF0]  }
0x98: {  	v12 =	vld [tilespmem:s10+$0x0]  }
0x99: {  	[tilespmem:s9+$0xFFFFFFE0] =	vst v8;
	v3 =	vmul.f32 v6, v3  }
0x9a: {  	[tilespmem:s9+$0xFFFFFFF0] =	vst v9;
	v5 =	vmul.f32 v7, v5  }
0x9b: {  	[tilespmem:s9+$0x0] =	vst v3;
	v1 =	vmul.f32 v10, v1  }
0x9c: {  	[tilespmem:s10+$0x10] =	vst v5;
	v3 =	vmul.f32 v11, v4  }
0x9d: {  	[tilespmem:s10+$0xFFFFFFE0] =	vst v1;
	v1 =	vmul.f32 v12, v2  }
0x9e: {  	[tilespmem:s10+$0xFFFFFFF0] =	vst v3  }
0x9f: {  	[tilespmem:s10+$0x0] =	vst v1  }
0xa0: {  	[spmem:s6] =	stream.indirect.scatter.add.f32 [tilespmem:s16], [sflag:$0x5], $0x1, s19, s19, $0xb8;
	[tilespmem:$0x1C080] =	vst v63  }
0xa1: {  	_ =	swait.ge [sflag:s30], $0x1000  }
0xa2: {  	[sflag:s30] =	ssyncset.done $0x0  }
0xa3: {  	[sflag:s30] =	ssyncadd.s32 $0xFFFFF000  }
0xa4: {  	_ =	swait.ge [sflag:s30], $0x1000  }
0xa5: {  	[sflag:s30] =	ssyncset.done $0x0  }
0xa6: {  	[sflag:s30] =	ssyncadd.s32 $0xFFFFF000  }
0xa7: {  	_ =	swait.ge [sflag:s30], $0x1000  }
0xa8: {  	[sflag:s30] =	ssyncset.done $0x0  }
0xa9: {  	[sflag:s30] =	ssyncadd.s32 $0xFFFFF000  }
0xaa: {  	[tilespmem:s31], [sflag:$0x4] =	stream.indirect.gather [spmem:s5], $0x1, s25, s19, $0xb8;
	[tilespmem:$0x1C080] =	vst v63  }
0xab: {  	s3 =	rddreg [dreg:$0x10]  }
0xac: {  	[tilespmem:s0], [sflag:$0x3] =	stream.strided.gather [hbm4b:s3+s17], $0x1000, s18, s17, $0x38;
	[tilespmem:$0x1C080] =	vst v63  }
0xad: {  	s14 =	rddreg [dreg:$0x11]  }
0xae: {  	[tilespmem:s4], [sflag:$0x3] =	stream.strided.gather [hbm4b:s14+s17], $0x1000, s18, s17, $0x38;
	[tilespmem:$0x1C080] =	vst v63  }
0xaf: {  	s28 =	simm.s32 $0xA000;
	s10 =	simm.s32 $0x0;
	s20 =	rddreg [dreg:$0x12]  }
0xb0: {  	[tilespmem:s28], [sflag:$0x3] =	stream.linear.gather [hbm4b:s20+s10], $0x1000, $0x38;
	[tilespmem:$0x1C080] =	vst v63  }
.LBB2_6:
0xb1: {  	_ =	swait.ge [sflag:s29], $0x1000  }
0xb2: {  	[sflag:s29] =	ssyncset.done $0x0  }
0xb3: {  	s3 =	simm.s32 $0x6020;
	[sflag:s29] =	ssyncadd.s32 $0xFFFFF000  }
0xb4: {  	v1 =	vld [tilespmem:s3+$0x10]  }
0xb5: {  	v2 =	vld [tilespmem:s3+$0xFFFFFFF0]  }
0xb6: {  	v3 =	vld [tilespmem:s3+$0xFFFFFFE0]  }
0xb7: {  	s9 =	simm.s32 $0x7020;
	v4 =	vld [tilespmem:s3+$0x0]  }
0xb8: {  	s20 =	simm.s32 $0x6060;
	v7 =	vld [tilespmem:s9+$0x10]  }
0xb9: {  	v5 =	vld [tilespmem:s20+$0x10]  }
0xba: {  	v10 =	vld [tilespmem:s20+$0xFFFFFFF0]  }
0xbb: {  	v11 =	vld [tilespmem:s20+$0xFFFFFFE0]  }
0xbc: {  	v12 =	vld [tilespmem:s9+$0xFFFFFFE0]  }
0xbd: {  	v13 =	vld [tilespmem:s9+$0xFFFFFFF0]  }
0xbe: {  	v6 =	vld [tilespmem:s9+$0x0]  }
0xbf: {  	v1 =	vld.idx.msk [tilespmem:v1+s15+$0x0], $0xffff  }
0xc0: {  	v9 =	vld.idx.msk [tilespmem:v2+s15+$0x0], $0xffff  }
0xc1: {  	v8 =	vld.idx.msk [tilespmem:v3+s15+$0x0], $0xffff  }
0xc2: {  	v2 =	vld [tilespmem:s20+$0x0]  }
0xc3: {  	v3 =	vld.idx.msk [tilespmem:v4+s15+$0x0], $0xffff  }
0xc4: {  	s14 =	simm.s32 $0x7060;
	v5 =	vld.idx.msk [tilespmem:v5+s15+$0x0], $0xffff  }
0xc5: {  	v1 =	vmul.f32 v7, v1;
	v7 =	vld [tilespmem:s14+$0x10]  }
0xc6: {  	v4 =	vld.idx.msk [tilespmem:v10+s15+$0x0], $0xffff;
	v8 =	vmul.f32 v12, v8  }
0xc7: {  	s28 =	simm.s32 $0x40;
	s3 =	simm.s32 $0x60A0;
	v9 =	vmul.f32 v13, v9;
	[tilespmem:s9+$0x10] =	vst v1;
	v1 =	vld.idx.msk [tilespmem:v11+s15+$0x0], $0xffff  }
.LBB2_7:
0xc8: {  	v10 =	vld [tilespmem:s3+$0x10];
	s28 =	sadd.s32 $0x40, s28;
	[tilespmem:s9+$0xFFFFFFE0] =	vst v8;
	v3 =	vmul.f32 v6, v3  }
0xc9: {  	v8 =	vld [tilespmem:s3+$0xFFFFFFF0];
	p0 =	slt.u32 s28, $0xFC0;
	[tilespmem:s9+$0xFFFFFFF0] =	vst v9  }
0xca: {  	v9 =	vld [tilespmem:s3+$0x0];
	v5 =	vmul.f32 v7, v5;
	[tilespmem:s9+$0x0] =	vst v3;
	s9 =	smov.u32 s14  }
0xcb: {  	v11 =	vld [tilespmem:s3+$0xFFFFFFE0]  }
0xcc: {  	v12 =	vmov v4;
	v3 =	vld.idx.msk [tilespmem:v2+s15+$0x0], $0xffff;
	[tilespmem:s14+$0x10] =	vst v5  }
0xcd: {  	v13 =	vld [tilespmem:s14+$0xFFFFFFE0]  }
0xce: {  	v14 =	vld [tilespmem:s14+$0xFFFFFFF0]  }
.Ltmp2:
0xcf: {  	v6 =	vld [tilespmem:s14+$0x0];
	v2 =	vmov v9;
	(pc) =	sbr.rel @p0 .LBB2_7-.Ltmp2, $4  }
0xd0: {  	s14 =	sadd.s32 $0x40, s14;
	v5 =	vld.idx.msk [tilespmem:v10+s15+$0x0], $0xffff  }
0xd1: {  	v7 =	vld [tilespmem:s14+$0x10]  }
0xd2: {  	v4 =	vld.idx.msk [tilespmem:v8+s15+$0x0], $0xffff;
	v8 =	vmul.f32 v13, v1  }
0xd3: {  	s3 =	sadd.s32 $0x40, s3;
	v1 =	vld.idx.msk [tilespmem:v11+s15+$0x0], $0xffff;
	v9 =	vmul.f32 v14, v12  }
0xd4: {  	_ =	sdelay $0x3  }
0xd5: {  	v2 =	vld.idx.msk [tilespmem:v2+s15+$0x0], $0xffff  }
0xd6: {  	v10 =	vld [tilespmem:s14+$0xFFFFFFE0]  }
0xd7: {  	v11 =	vld [tilespmem:s14+$0xFFFFFFF0]  }
0xd8: {  	v12 =	vld [tilespmem:s14+$0x0]  }
0xd9: {  	[tilespmem:s9+$0xFFFFFFE0] =	vst v8;
	v3 =	vmul.f32 v6, v3  }
0xda: {  	[tilespmem:s9+$0xFFFFFFF0] =	vst v9;
	v5 =	vmul.f32 v7, v5  }
0xdb: {  	[tilespmem:s9+$0x0] =	vst v3;
	v1 =	vmul.f32 v10, v1  }
0xdc: {  	[tilespmem:s14+$0x10] =	vst v5;
	v3 =	vmul.f32 v11, v4  }
0xdd: {  	[tilespmem:s14+$0xFFFFFFE0] =	vst v1;
	v1 =	vmul.f32 v12, v2  }
0xde: {  	[tilespmem:s14+$0xFFFFFFF0] =	vst v3  }
0xdf: {  	[tilespmem:s14+$0x0] =	vst v1  }
0xe0: {  	_ =	swait.ge [sflag:s8], $0x1000  }
0xe1: {  	[sflag:s8] =	ssyncset.done $0x0  }
0xe2: {  	[sflag:s8] =	ssyncadd.s32 $0xFFFFF000  }
0xe3: {  	[spmem:s6] =	stream.indirect.scatter.add.f32 [tilespmem:s31], [sflag:$0x5], $0x1, s26, s19, $0xb8;
	[tilespmem:$0x1C080] =	vst v63  }
0xe4: {  	_ =	swait.ge [sflag:s11], $0x1000  }
0xe5: {  	[sflag:s11] =	ssyncset.done $0x0  }
0xe6: {  	[sflag:s11] =	ssyncadd.s32 $0xFFFFF000  }
0xe7: {  	_ =	swait.ge [sflag:s11], $0x1000  }
0xe8: {  	[sflag:s11] =	ssyncset.done $0x0  }
0xe9: {  	s9 =	smul.u32 $0x3000, s10;
	[sflag:s11] =	ssyncadd.s32 $0xFFFFF000  }
0xea: {  	_ =	swait.ge [sflag:s11], $0x1000  }
0xeb: {  	s3 =	sadd.s32 s9, s21;
	[sflag:s11] =	ssyncset.done $0x0  }
0xec: {  	s14 =	sshrl.u32 s3, $0x2;
	[sflag:s11] =	ssyncadd.s32 $0xFFFFF000  }
0xed: {  	[tilespmem:s13], [sflag:$0x4] =	stream.indirect.gather [spmem:s5], $0x1, s0, s19, $0xb8;
	[tilespmem:$0x1C080] =	vst v63  }
0xee: {  	s20 =	sadd.s32 s1, s14  }
0xef: {  	[tilespmem:s7], [sflag:$0x1] =	stream.strided.gather [hbm4b:s20+s17], $0x1000, s18, s17, $0x38;
	[tilespmem:$0x1C080] =	vst v63  }
0xf0: {  	s3 =	sshrl.u32 s3, $0x3;
	s14 =	sadd.s32 s14, s12  }
0xf1: {  	[tilespmem:s19], [sflag:$0x1] =	stream.strided.gather [hbm4b:s14+s17], $0x1000, s18, s17, $0x38;
	[tilespmem:$0x1C080] =	vst v63  }
0xf2: {  	s3 =	sadd.s32 s2, s3;
	s20 =	simm.s32 $0x2000  }
0xf3: {  	[tilespmem:s20], [sflag:$0x1] =	stream.linear.gather [hbm4b:s3+s7], $0x1000, $0x38;
	[tilespmem:$0x1C080] =	vst v63  }
0xf4: {  	_ =	swait.ge [sflag:s29], $0x1000  }
0xf5: {  	[sflag:s29] =	ssyncset.done $0x0  }
0xf6: {  	s14 =	simm.s32 $0xA020;
	[sflag:s29] =	ssyncadd.s32 $0xFFFFF000  }
0xf7: {  	v1 =	vld [tilespmem:s14+$0x10]  }
0xf8: {  	v2 =	vld [tilespmem:s14+$0xFFFFFFF0]  }
0xf9: {  	v3 =	vld [tilespmem:s14+$0xFFFFFFE0]  }
0xfa: {  	s20 =	simm.s32 $0xA060;
	v4 =	vld [tilespmem:s14+$0x0]  }
0xfb: {  	v5 =	vld [tilespmem:s20+$0x10]  }
0xfc: {  	v10 =	vld [tilespmem:s20+$0xFFFFFFF0]  }
0xfd: {  	s14 =	simm.s32 $0xB020;
	v11 =	vld [tilespmem:s20+$0xFFFFFFE0]  }
0xfe: {  	v7 =	vld [tilespmem:s14+$0x10]  }
0xff: {  	v63 =	vld [tilespmem:s14+$0xFFFFFFE0]  }
0x100: {  	v13 =	vld [tilespmem:s14+$0xFFFFFFF0]  }
0x101: {  	v6 =	vld [tilespmem:s14+$0x0]  }
0x102: {  	v1 =	vld.idx.msk [tilespmem:v1+s15+$0x0], $0xffff  }
0x103: {  	v9 =	vld.idx.msk [tilespmem:v2+s15+$0x0], $0xffff  }
0x104: {  	v8 =	vld.idx.msk [tilespmem:v3+s15+$0x0], $0xffff  }
0x105: {  	v2 =	vld [tilespmem:s20+$0x0]  }
0x106: {  	v3 =	vld.idx.msk [tilespmem:v4+s15+$0x0], $0xffff  }
0x107: {  	s28 =	simm.s32 $0xB060;
	v5 =	vld.idx.msk [tilespmem:v5+s15+$0x0], $0xffff  }
0x108: {  	v1 =	vmul.f32 v7, v1;
	v7 =	vld [tilespmem:s28+$0x10]  }
0x109: {  	v4 =	vld.idx.msk [tilespmem:v10+s15+$0x0], $0xffff;
	v8 =	vmul.f32 v63, v8  }
0x10a: {  	s3 =	simm.s32 $0x40;
	s20 =	simm.s32 $0xA0A0;
	v9 =	vmul.f32 v13, v9;
	[tilespmem:s14+$0x10] =	vst v1;
	v1 =	vld.idx.msk [tilespmem:v11+s15+$0x0], $0xffff  }
.LBB2_9:
0x10b: {  	v10 =	vld [tilespmem:s20+$0x10];
	s3 =	sadd.s32 $0x40, s3;
	[tilespmem:s14+$0xFFFFFFE0] =	vst v8;
	v3 =	vmul.f32 v6, v3  }
0x10c: {  	v8 =	vld [tilespmem:s20+$0xFFFFFFF0];
	p0 =	slt.u32 s3, $0xFC0;
	[tilespmem:s14+$0xFFFFFFF0] =	vst v9  }
0x10d: {  	v9 =	vld [tilespmem:s20+$0x0];
	v5 =	vmul.f32 v7, v5;
	[tilespmem:s14+$0x0] =	vst v3;
	s14 =	smov.u32 s28  }
0x10e: {  	v11 =	vld [tilespmem:s20+$0xFFFFFFE0]  }
0x10f: {  	v12 =	vmov v4;
	v3 =	vld.idx.msk [tilespmem:v2+s15+$0x0], $0xffff;
	[tilespmem:s28+$0x10] =	vst v5  }
0x110: {  	v13 =	vld [tilespmem:s28+$0xFFFFFFE0]  }
0x111: {  	v14 =	vld [tilespmem:s28+$0xFFFFFFF0]  }
.Ltmp3:
0x112: {  	v6 =	vld [tilespmem:s28+$0x0];
	v2 =	vmov v9;
	(pc) =	sbr.rel @p0 .LBB2_9-.Ltmp3, $4  }
0x113: {  	s28 =	sadd.s32 $0x40, s28;
	v5 =	vld.idx.msk [tilespmem:v10+s15+$0x0], $0xffff  }
0x114: {  	v7 =	vld [tilespmem:s28+$0x10]  }
0x115: {  	v4 =	vld.idx.msk [tilespmem:v8+s15+$0x0], $0xffff;
	v8 =	vmul.f32 v13, v1  }
0x116: {  	s20 =	sadd.s32 $0x40, s20;
	v1 =	vld.idx.msk [tilespmem:v11+s15+$0x0], $0xffff;
	v9 =	vmul.f32 v14, v12  }
0x117: {  	_ =	sdelay $0x3  }
0x118: {  	v2 =	vld.idx.msk [tilespmem:v2+s15+$0x0], $0xffff  }
0x119: {  	v10 =	vld [tilespmem:s28+$0xFFFFFFE0]  }
0x11a: {  	v11 =	vld [tilespmem:s28+$0xFFFFFFF0]  }
0x11b: {  	v12 =	vld [tilespmem:s28+$0x0]  }
0x11c: {  	[tilespmem:s14+$0xFFFFFFE0] =	vst v8;
	v3 =	vmul.f32 v6, v3  }
0x11d: {  	[tilespmem:s14+$0xFFFFFFF0] =	vst v9;
	v5 =	vmul.f32 v7, v5  }
0x11e: {  	[tilespmem:s14+$0x0] =	vst v3;
	v1 =	vmul.f32 v10, v1  }
0x11f: {  	[tilespmem:s28+$0x10] =	vst v5;
	v3 =	vmul.f32 v11, v4  }
0x120: {  	[tilespmem:s28+$0xFFFFFFE0] =	vst v1;
	v1 =	vmul.f32 v12, v2  }
0x121: {  	[tilespmem:s28+$0xFFFFFFF0] =	vst v3  }
0x122: {  	[tilespmem:s28+$0x0] =	vst v1  }
0x123: {  	_ =	swait.ge [sflag:s8], $0x1000  }
0x124: {  	[sflag:s8] =	ssyncset.done $0x0  }
0x125: {  	[sflag:s8] =	ssyncadd.s32 $0xFFFFF000  }
0x126: {  	[spmem:s6] =	stream.indirect.scatter.add.f32 [tilespmem:s13], [sflag:$0x5], $0x1, s4, s19, $0xb8;
	[tilespmem:$0x1C080] =	vst v63  }
0x127: {  	_ =	swait.ge [sflag:s24], $0x1000  }
0x128: {  	[sflag:s24] =	ssyncset.done $0x0  }
0x129: {  	[sflag:s24] =	ssyncadd.s32 $0xFFFFF000  }
0x12a: {  	_ =	swait.ge [sflag:s24], $0x1000  }
0x12b: {  	[sflag:s24] =	ssyncset.done $0x0  }
0x12c: {  	[sflag:s24] =	ssyncadd.s32 $0xFFFFF000  }
0x12d: {  	_ =	swait.ge [sflag:s24], $0x1000  }
0x12e: {  	s3 =	sadd.s32 s9, s22;
	[sflag:s24] =	ssyncset.done $0x0  }
0x12f: {  	s9 =	sshrl.u32 s3, $0x2;
	[sflag:s24] =	ssyncadd.s32 $0xFFFFF000  }
0x130: {  	[tilespmem:s16], [sflag:$0x4] =	stream.indirect.gather [spmem:s5], $0x1, s7, s19, $0xb8;
	[tilespmem:$0x1C080] =	vst v63  }
0x131: {  	s28 =	sadd.s32 s1, s9  }
0x132: {  	[tilespmem:s25], [sflag:$0x2] =	stream.strided.gather [hbm4b:s28+s17], $0x1000, s18, s17, $0x38;
	[tilespmem:$0x1C080] =	vst v63  }
0x133: {  	s3 =	sshrl.u32 s3, $0x3;
	s9 =	sadd.s32 s9, s12  }
0x134: {  	[tilespmem:s26], [sflag:$0x2] =	stream.strided.gather [hbm4b:s9+s17], $0x1000, s18, s17, $0x38;
	[tilespmem:$0x1C080] =	vst v63  }
0x135: {  	s3 =	sadd.s32 s2, s3;
	s14 =	simm.s32 $0x6000  }
0x136: {  	[tilespmem:s14], [sflag:$0x2] =	stream.linear.gather [hbm4b:s3+s7], $0x1000, $0x38;
	[tilespmem:$0x1C080] =	vst v63  }
0x137: {  	_ =	swait.ge [sflag:s29], $0x1000  }
0x138: {  	[sflag:s29] =	ssyncset.done $0x0  }
0x139: {  	s20 =	simm.s32 $0x2020;
	[sflag:s29] =	ssyncadd.s32 $0xFFFFF000  }
0x13a: {  	v1 =	vld [tilespmem:s20+$0x10]  }
0x13b: {  	v2 =	vld [tilespmem:s20+$0xFFFFFFF0]  }
0x13c: {  	v3 =	vld [tilespmem:s20+$0xFFFFFFE0]  }
0x13d: {  	s9 =	simm.s32 $0x3020;
	v4 =	vld [tilespmem:s20+$0x0]  }
0x13e: {  	s28 =	simm.s32 $0x2060;
	v7 =	vld [tilespmem:s9+$0x10]  }
0x13f: {  	v5 =	vld [tilespmem:s28+$0x10]  }
0x140: {  	v10 =	vld [tilespmem:s28+$0xFFFFFFF0]  }
0x141: {  	v11 =	vld [tilespmem:s28+$0xFFFFFFE0]  }
0x142: {  	v63 =	vld [tilespmem:s9+$0xFFFFFFE0]  }
0x143: {  	v13 =	vld [tilespmem:s9+$0xFFFFFFF0]  }
0x144: {  	v6 =	vld [tilespmem:s9+$0x0]  }
0x145: {  	v1 =	vld.idx.msk [tilespmem:v1+s15+$0x0], $0xffff  }
0x146: {  	v9 =	vld.idx.msk [tilespmem:v2+s15+$0x0], $0xffff  }
0x147: {  	v8 =	vld.idx.msk [tilespmem:v3+s15+$0x0], $0xffff  }
0x148: {  	v2 =	vld [tilespmem:s28+$0x0]  }
0x149: {  	v3 =	vld.idx.msk [tilespmem:v4+s15+$0x0], $0xffff  }
0x14a: {  	s14 =	simm.s32 $0x3060;
	v5 =	vld.idx.msk [tilespmem:v5+s15+$0x0], $0xffff  }
0x14b: {  	v1 =	vmul.f32 v7, v1;
	v7 =	vld [tilespmem:s14+$0x10]  }
0x14c: {  	v4 =	vld.idx.msk [tilespmem:v10+s15+$0x0], $0xffff;
	v8 =	vmul.f32 v63, v8  }
0x14d: {  	s3 =	simm.s32 $0x40;
	s20 =	simm.s32 $0x20A0;
	v9 =	vmul.f32 v13, v9;
	[tilespmem:s9+$0x10] =	vst v1;
	v1 =	vld.idx.msk [tilespmem:v11+s15+$0x0], $0xffff  }
.LBB2_11:
0x14e: {  	v10 =	vld [tilespmem:s20+$0x10];
	s3 =	sadd.s32 $0x40, s3;
	[tilespmem:s9+$0xFFFFFFE0] =	vst v8;
	v3 =	vmul.f32 v6, v3  }
0x14f: {  	v8 =	vld [tilespmem:s20+$0xFFFFFFF0];
	p0 =	slt.u32 s3, $0xFC0;
	[tilespmem:s9+$0xFFFFFFF0] =	vst v9  }
0x150: {  	v9 =	vld [tilespmem:s20+$0x0];
	v5 =	vmul.f32 v7, v5;
	[tilespmem:s9+$0x0] =	vst v3;
	s9 =	smov.u32 s14  }
0x151: {  	v11 =	vld [tilespmem:s20+$0xFFFFFFE0]  }
0x152: {  	v12 =	vmov v4;
	v3 =	vld.idx.msk [tilespmem:v2+s15+$0x0], $0xffff;
	[tilespmem:s14+$0x10] =	vst v5  }
0x153: {  	v13 =	vld [tilespmem:s14+$0xFFFFFFE0]  }
0x154: {  	v14 =	vld [tilespmem:s14+$0xFFFFFFF0]  }
.Ltmp4:
0x155: {  	v6 =	vld [tilespmem:s14+$0x0];
	v2 =	vmov v9;
	(pc) =	sbr.rel @p0 .LBB2_11-.Ltmp4, $4  }
0x156: {  	s14 =	sadd.s32 $0x40, s14;
	v5 =	vld.idx.msk [tilespmem:v10+s15+$0x0], $0xffff  }
0x157: {  	v7 =	vld [tilespmem:s14+$0x10]  }
0x158: {  	v4 =	vld.idx.msk [tilespmem:v8+s15+$0x0], $0xffff;
	v8 =	vmul.f32 v13, v1  }
0x159: {  	s20 =	sadd.s32 $0x40, s20;
	v1 =	vld.idx.msk [tilespmem:v11+s15+$0x0], $0xffff;
	v9 =	vmul.f32 v14, v12  }
0x15a: {  	_ =	sdelay $0x3  }
0x15b: {  	v2 =	vld.idx.msk [tilespmem:v2+s15+$0x0], $0xffff  }
0x15c: {  	v10 =	vld [tilespmem:s14+$0xFFFFFFE0]  }
0x15d: {  	v11 =	vld [tilespmem:s14+$0xFFFFFFF0]  }
0x15e: {  	v12 =	vld [tilespmem:s14+$0x0]  }
0x15f: {  	[tilespmem:s9+$0xFFFFFFE0] =	vst v8;
	v3 =	vmul.f32 v6, v3  }
0x160: {  	[tilespmem:s9+$0xFFFFFFF0] =	vst v9;
	v5 =	vmul.f32 v7, v5  }
0x161: {  	[tilespmem:s9+$0x0] =	vst v3;
	v1 =	vmul.f32 v10, v1  }
0x162: {  	[tilespmem:s14+$0x10] =	vst v5;
	v3 =	vmul.f32 v11, v4  }
0x163: {  	[tilespmem:s14+$0xFFFFFFE0] =	vst v1;
	v1 =	vmul.f32 v12, v2  }
0x164: {  	[tilespmem:s14+$0xFFFFFFF0] =	vst v3  }
0x165: {  	[tilespmem:s14+$0x0] =	vst v1  }
0x166: {  	_ =	swait.ge [sflag:s8], $0x1000  }
0x167: {  	[sflag:s8] =	ssyncset.done $0x0  }
0x168: {  	[sflag:s8] =	ssyncadd.s32 $0xFFFFF000  }
0x169: {  	[spmem:s6] =	stream.indirect.scatter.add.f32 [tilespmem:s16], [sflag:$0x5], $0x1, s19, s19, $0xb8;
	[tilespmem:$0x1C080] =	vst v63  }
0x16a: {  	_ =	swait.ge [sflag:s30], $0x1000  }
0x16b: {  	[sflag:s30] =	ssyncset.done $0x0  }
0x16c: {  	[sflag:s30] =	ssyncadd.s32 $0xFFFFF000  }
0x16d: {  	s3 =	smul.u32 $0x3, s10;
	_ =	swait.ge [sflag:s30], $0x1000  }
0x16e: {  	[sflag:s30] =	ssyncset.done $0x0  }
0x16f: {  	s3 =	smin.u32 s3, $0x7A;
	[sflag:s30] =	ssyncadd.s32 $0xFFFFF000  }
0x170: {  	s3 =	sshll.u32 s3, $0xC;
	_ =	swait.ge [sflag:s30], $0x1000  }
0x171: {  	s3 =	sadd.s32 s3, s23;
	[sflag:s30] =	ssyncset.done $0x0  }
0x172: {  	s10 =	sadd.s32 $0x1, s10;
	s28 =	sshrl.u32 s3, $0x2;
	[sflag:s30] =	ssyncadd.s32 $0xFFFFF000  }
0x173: {  	[tilespmem:s31], [sflag:$0x4] =	stream.indirect.gather [spmem:s5], $0x1, s25, s19, $0xb8;
	[tilespmem:$0x1C080] =	vst v63  }
0x174: {  	p0 =	sne.s32 s10, $0x2A;
	s20 =	sadd.s32 s1, s28  }
0x175: {  	[tilespmem:s0], [sflag:$0x3] =	stream.strided.gather [hbm4b:s20+s17], $0x1000, s18, s17, $0x38;
	[tilespmem:$0x1C080] =	vst v63  }
.Ltmp5:
0x176: {  	_ = 	snop;
	(pc) =	sbr.rel @p0 .LBB2_6-.Ltmp5, $4  }
0x177: {  	s3 =	sshrl.u32 s3, $0x3;
	s9 =	sadd.s32 s28, s12  }
0x178: {  	[tilespmem:s4], [sflag:$0x3] =	stream.strided.gather [hbm4b:s9+s17], $0x1000, s18, s17, $0x38;
	[tilespmem:$0x1C080] =	vst v63  }
0x179: {  	s3 =	sadd.s32 s2, s3;
	s28 =	simm.s32 $0xA000  }
0x17a: {  	[tilespmem:s28], [sflag:$0x3] =	stream.linear.gather [hbm4b:s3+s7], $0x1000, $0x38;
	[tilespmem:$0x1C080] =	vst v63  }
0x17b: {  	_ =	swait.ge [sflag:s29], $0x1000  }
0x17c: {  	[sflag:s29] =	ssyncset.done $0x0  }
0x17d: {  	s3 =	simm.s32 $0x6020;
	[sflag:s29] =	ssyncadd.s32 $0xFFFFF000  }
0x17e: {  	v1 =	vld [tilespmem:s3+$0x10]  }
0x17f: {  	v2 =	vld [tilespmem:s3+$0xFFFFFFF0]  }
0x180: {  	v3 =	vld [tilespmem:s3+$0xFFFFFFE0]  }
0x181: {  	s9 =	simm.s32 $0x7020;
	v4 =	vld [tilespmem:s3+$0x0]  }
0x182: {  	s28 =	simm.s32 $0x6060;
	v7 =	vld [tilespmem:s9+$0x10]  }
0x183: {  	v5 =	vld [tilespmem:s28+$0x10]  }
0x184: {  	v10 =	vld [tilespmem:s28+$0xFFFFFFF0]  }
0x185: {  	v11 =	vld [tilespmem:s28+$0xFFFFFFE0]  }
0x186: {  	v12 =	vld [tilespmem:s9+$0xFFFFFFE0]  }
0x187: {  	v13 =	vld [tilespmem:s9+$0xFFFFFFF0]  }
0x188: {  	v6 =	vld [tilespmem:s9+$0x0]  }
0x189: {  	v1 =	vld.idx.msk [tilespmem:v1+s15+$0x0], $0xffff  }
0x18a: {  	v9 =	vld.idx.msk [tilespmem:v2+s15+$0x0], $0xffff  }
0x18b: {  	v8 =	vld.idx.msk [tilespmem:v3+s15+$0x0], $0xffff  }
0x18c: {  	v2 =	vld [tilespmem:s28+$0x0]  }
0x18d: {  	v3 =	vld.idx.msk [tilespmem:v4+s15+$0x0], $0xffff  }
0x18e: {  	s10 =	simm.s32 $0x7060;
	v5 =	vld.idx.msk [tilespmem:v5+s15+$0x0], $0xffff  }
0x18f: {  	v1 =	vmul.f32 v7, v1;
	v7 =	vld [tilespmem:s10+$0x10]  }
0x190: {  	v4 =	vld.idx.msk [tilespmem:v10+s15+$0x0], $0xffff;
	v8 =	vmul.f32 v12, v8  }
0x191: {  	s14 =	simm.s32 $0x60A0;
	s3 =	simm.s32 $0x40;
	v9 =	vmul.f32 v13, v9;
	[tilespmem:s9+$0x10] =	vst v1;
	v1 =	vld.idx.msk [tilespmem:v11+s15+$0x0], $0xffff  }
.LBB2_14:
0x192: {  	v10 =	vld [tilespmem:s14+$0x10];
	s3 =	sadd.s32 $0x40, s3;
	[tilespmem:s9+$0xFFFFFFE0] =	vst v8;
	v3 =	vmul.f32 v6, v3  }
0x193: {  	v8 =	vld [tilespmem:s14+$0xFFFFFFF0];
	p0 =	slt.u32 s3, $0xFC0;
	[tilespmem:s9+$0xFFFFFFF0] =	vst v9  }
0x194: {  	v9 =	vld [tilespmem:s14+$0x0];
	v5 =	vmul.f32 v7, v5;
	[tilespmem:s9+$0x0] =	vst v3;
	s9 =	smov.u32 s10  }
0x195: {  	v11 =	vld [tilespmem:s14+$0xFFFFFFE0]  }
0x196: {  	v12 =	vmov v4;
	v3 =	vld.idx.msk [tilespmem:v2+s15+$0x0], $0xffff;
	[tilespmem:s10+$0x10] =	vst v5  }
0x197: {  	v13 =	vld [tilespmem:s10+$0xFFFFFFE0]  }
0x198: {  	v14 =	vld [tilespmem:s10+$0xFFFFFFF0]  }
.Ltmp6:
0x199: {  	v6 =	vld [tilespmem:s10+$0x0];
	v2 =	vmov v9;
	(pc) =	sbr.rel @p0 .LBB2_14-.Ltmp6, $4  }
0x19a: {  	s10 =	sadd.s32 $0x40, s10;
	v5 =	vld.idx.msk [tilespmem:v10+s15+$0x0], $0xffff  }
0x19b: {  	v7 =	vld [tilespmem:s10+$0x10]  }
0x19c: {  	v4 =	vld.idx.msk [tilespmem:v8+s15+$0x0], $0xffff;
	v8 =	vmul.f32 v13, v1  }
0x19d: {  	s14 =	sadd.s32 $0x40, s14;
	v1 =	vld.idx.msk [tilespmem:v11+s15+$0x0], $0xffff;
	v9 =	vmul.f32 v14, v12  }
0x19e: {  	_ =	sdelay $0x3  }
0x19f: {  	v2 =	vld.idx.msk [tilespmem:v2+s15+$0x0], $0xffff  }
0x1a0: {  	v10 =	vld [tilespmem:s10+$0xFFFFFFE0]  }
0x1a1: {  	v11 =	vld [tilespmem:s10+$0xFFFFFFF0]  }
0x1a2: {  	v12 =	vld [tilespmem:s10+$0x0]  }
0x1a3: {  	[tilespmem:s9+$0xFFFFFFE0] =	vst v8;
	v3 =	vmul.f32 v6, v3  }
0x1a4: {  	[tilespmem:s9+$0xFFFFFFF0] =	vst v9;
	v5 =	vmul.f32 v7, v5  }
0x1a5: {  	[tilespmem:s9+$0x0] =	vst v3;
	v1 =	vmul.f32 v10, v1  }
0x1a6: {  	[tilespmem:s10+$0x10] =	vst v5;
	v3 =	vmul.f32 v11, v4  }
0x1a7: {  	[tilespmem:s10+$0xFFFFFFE0] =	vst v1;
	v1 =	vmul.f32 v12, v2  }
0x1a8: {  	[tilespmem:s10+$0xFFFFFFF0] =	vst v3  }
0x1a9: {  	[tilespmem:s10+$0x0] =	vst v1  }
0x1aa: {  	_ =	swait.ge [sflag:s8], $0x1000  }
0x1ab: {  	[sflag:s8] =	ssyncset.done $0x0  }
0x1ac: {  	[sflag:s8] =	ssyncadd.s32 $0xFFFFF000  }
0x1ad: {  	[spmem:s6] =	stream.indirect.scatter.add.f32 [tilespmem:s31], [sflag:$0x5], $0x1, s26, s19, $0xb8;
	[tilespmem:$0x1C080] =	vst v63  }
0x1ae: {  	_ =	swait.ge [sflag:s11], $0x1000  }
0x1af: {  	[sflag:s11] =	ssyncset.done $0x0  }
0x1b0: {  	[sflag:s11] =	ssyncadd.s32 $0xFFFFF000  }
0x1b1: {  	_ =	swait.ge [sflag:s11], $0x1000  }
0x1b2: {  	[sflag:s11] =	ssyncset.done $0x0  }
0x1b3: {  	[sflag:s11] =	ssyncadd.s32 $0xFFFFF000  }
0x1b4: {  	_ =	swait.ge [sflag:s11], $0x1000  }
0x1b5: {  	[sflag:s11] =	ssyncset.done $0x0  }
0x1b6: {  	[sflag:s11] =	ssyncadd.s32 $0xFFFFF000  }
0x1b7: {  	[tilespmem:s13], [sflag:$0x4] =	stream.indirect.gather [spmem:s5], $0x1, s0, s19, $0xb8;
	[tilespmem:$0x1C080] =	vst v63  }
0x1b8: {  	s3 =	rddreg [dreg:$0x13]  }
0x1b9: {  	[tilespmem:s7], [sflag:$0x1] =	stream.strided.gather [hbm4b:s3+s17], $0x1000, s18, s17, $0x38;
	[tilespmem:$0x1C080] =	vst v63  }
0x1ba: {  	s14 =	rddreg [dreg:$0x14]  }
0x1bb: {  	[tilespmem:s19], [sflag:$0x1] =	stream.strided.gather [hbm4b:s14+s17], $0x1000, s18, s17, $0x38;
	[tilespmem:$0x1C080] =	vst v63  }
0x1bc: {  	s28 =	simm.s32 $0x2000;
	s20 =	rddreg [dreg:$0x15]  }
0x1bd: {  	[tilespmem:s28], [sflag:$0x1] =	stream.linear.gather [hbm4b:s20+s7], $0x1000, $0x38;
	[tilespmem:$0x1C080] =	vst v63  }
0x1be: {  	_ =	swait.ge [sflag:s8], $0x1000  }
0x1bf: {  	[sflag:s8] =	ssyncset.done $0x0  }
0x1c0: {  	[sflag:s8] =	ssyncadd.s32 $0xFFFFF000  }
0x1c1: {  	_ =	swait.ge [sflag:s29], $0x1000  }
0x1c2: {  	[sflag:s29] =	ssyncset.done $0x0  }
0x1c3: {  	[sflag:s29] =	ssyncadd.s32 $0xFFFFF000  }
0x1c4: {  	_ =	swait.ge [sflag:s24], $0x1000  }
0x1c5: {  	[sflag:s24] =	ssyncset.done $0x0  }
0x1c6: {  	[sflag:s24] =	ssyncadd.s32 $0xFFFFF000  }
0x1c7: {  	_ =	swait.ge [sflag:s24], $0x1000  }
0x1c8: {  	[sflag:s24] =	ssyncset.done $0x0  }
0x1c9: {  	[sflag:s24] =	ssyncadd.s32 $0xFFFFF000  }
0x1ca: {  	_ =	swait.ge [sflag:s24], $0x1000  }
0x1cb: {  	[sflag:s24] =	ssyncset.done $0x0  }
0x1cc: {  	[sflag:s24] =	ssyncadd.s32 $0xFFFFF000  }
0x1cd: {  	[bflag:$0x0] =	sbarrier.arrive $0xFFFF  }
0x1ce: {  	s20 =	rddreg [dreg:$0x9]  }
0x1cf: {  	s14 =	rddreg [dreg:$0x8]  }
0x1d0: {  	s28 =	simm.s32 $0x10;
	s10 =	rddreg [dreg:$0x16];
	s9 =	sshrl.u32 s20, $0x3  }
0x1d1: {  	[hbm:s10@s17], [sflag:s14] =	dma.strided [spmem:s9@s28], $0x1000, s24, $0x10   }
0x1d2: {  	s10 =	simm.s32 $0x6  }
0x1d3: {  	_ =	swait.ge [sflag:s10], $0x1000  }
0x1d4: {  	s3 =	sld [smem:$0x7FD];
	_ =	sdelay $0x2  }
0x1d5: {  	s28 =	rddreg [dreg:$0x17];
	s9 =	sadd.s32 $0x1, s3  }
0x1d6: {  	p0 =	sne.s32 s9, s28  }
.Ltmp7:
0x1d7: {  	_ = 	snop;
	(pc) =	sbr.rel @p0 .LBB2_1-.Ltmp7, $3  }
0x1d8: {  	_ =	sdelay $0x1  }
0x1d9: {  	[sflag:s10] =	ssyncset.done $0x0  }
0x1da: {  	[sflag:s10] =	ssyncadd.s32 $0xFFFFF000  }
0x1db: {  	_ =	sfence.sel $0x180000  }
0x1dc: {  	[bflag:$0x0] =	sbarrier.arrive $0xFFFF  }
0x1dd: {  	_ =	strace $0x90000047  }
0x1de: {  	s0 =	stileid.u32;
	[bflag:$0x2] =	sbarrier.arrive $0xFFFF  }
0x1df: {  	p0 =	sne.s32 s0, $0x0;
	s0 =	rddreg [dreg:$0x6]  }
0x1e0: {  	s0 =	sadd.s32 @!p0 $0x100000, s0  }
0x1e1: {  	[sflag:s0] =	ssyncadd.tile.s32 @!p0 $0x1;
	_ =	shalt  }
.Lfunc_end2:
_tile_overlayer_lowered:
.L_overlay_start_2:
0x1e2: {  	(tag) =	ssettag $0x2  }
0x1e3: {  	s0 =	rddreg [dreg:$0x0];
	s2 =	stileid.u32  }
0x1e4: {  	s1 =	rddreg [dreg:$0x1];
	p0 =	sne.s32 s2, $0x0  }
0x1e5: {  	s3 =	rddreg [dreg:$0x2];
	[bflag:$0x3] =	sbarrier.arrive $0xFFFF;
	s2 =	simm.s32 @!p0 $0x1C06  }
0x1e6: {  	[timem:s3], [sflag:s2] =	dma.local @!p0 [hbm:s0], s1  }
0x1e7: {  	s0 =	simm.s32 @!p0 $0x6  }
0x1e8: {  	_ =	swait.ge @!p0 [sflag:s0], s1  }
0x1e9: {  	s1 =	ssub.s32 @!p0 $0x0, s1;
	[sflag:s0] =	ssyncset.done @!p0 $0x0  }
0x1ea: {  	[sflag:s0] =	ssyncadd.s32 @!p0 s1  }
0x1eb: {  	[bflag:$0x3] =	sbarrier.arrive $0xFFFF  }
0x1ec: {  	_ =	shalt  }

</sc_bundles>
